<compile_context>
chip_gen: v7x
topology: tpu7x:2x2x1
jax: 0.10.2.dev20260603
libtpu: 0.0.44.dev20260713+nightly
codegen_flags: <defaults>
</compile_context>

<pallas_src>
import functools

import jax
import jax.numpy as jnp
from jax import lax
from jax.experimental import pallas as pl
from jax.experimental.pallas import tpu as pltpu
from jax.experimental.pallas import tpu_sc as plsc

B = 16384
D = 64
DM = 256
NROW = 100000

NC = 2
NS = 16
NW = NC * NS
BPW = B // NW
CH = 128
NCHUNK = BPW // CH
CHG = 256
NCHUNKG = BPW // CHG


def _sc_mesh():
    return plsc.VectorSubcoreMesh(core_axis_name="c", subcore_axis_name="s",
                                  num_cores=NC, num_subcores=NS)


@functools.lru_cache(maxsize=None)
def _get_sc_gather_mlp():
    @functools.partial(
        pl.kernel,
        mesh=_sc_mesh(),
        out_type=[
            jax.ShapeDtypeStruct((B, DM), jnp.float32),
            jax.ShapeDtypeStruct((B, DM), jnp.float32),
        ],
        scratch_types=[
            pltpu.VMEM((CH,), jnp.int32),
            pltpu.VMEM((CH,), jnp.int32),
            pltpu.VMEM((CH, DM), jnp.float32),
            pltpu.VMEM((CH, DM), jnp.float32),
            pltpu.SemaphoreType.DMA,
        ],
    )
    def _sc_gather_mlp(user_hbm, item_hbm, um_t, im_t, um_out, im_out,
                       idxu_v, idxi_v, um_v, im_v, sem):
        wid = lax.axis_index("s") * NC + lax.axis_index("c")
        base = wid * BPW
        for c in range(NCHUNK):
            off = base + c * CH
            pltpu.sync_copy(user_hbm.at[pl.ds(off, CH)], idxu_v)
            pltpu.sync_copy(item_hbm.at[pl.ds(off, CH)], idxi_v)
            cps = [
                pltpu.async_copy(um_t.at[idxu_v], um_v, sem),
                pltpu.async_copy(im_t.at[idxi_v], im_v, sem),
            ]
            for cp in cps:
                cp.wait()
            pltpu.sync_copy(um_v, um_out.at[pl.ds(off, CH)])
            pltpu.sync_copy(im_v, im_out.at[pl.ds(off, CH)])

    return _sc_gather_mlp


@functools.lru_cache(maxsize=None)
def _get_sc_gather_gmf():
    @functools.partial(
        pl.kernel,
        mesh=_sc_mesh(),
        out_type=jax.ShapeDtypeStruct((B, 4 * D), jnp.float32),
        scratch_types=[
            pltpu.VMEM((CHG,), jnp.int32),
            pltpu.VMEM((CHG,), jnp.int32),
            pltpu.VMEM((CHG, 2 * D), jnp.float32),
            pltpu.VMEM((CHG, 2 * D), jnp.float32),
            pltpu.SemaphoreType.DMA,
        ],
    )
    def _sc_gather_gmf(useri_hbm, itemi_hbm, packed_t, g_out,
                       idxu_v, idxi_v, ug_v, ig_v, sem):
        wid = lax.axis_index("s") * NC + lax.axis_index("c")
        base = wid * BPW
        for c in range(NCHUNKG):
            off = base + c * CHG
            pltpu.sync_copy(useri_hbm.at[pl.ds(off, CHG)], idxu_v)
            pltpu.sync_copy(itemi_hbm.at[pl.ds(off, CHG)], idxi_v)
            cps = [
                pltpu.async_copy(packed_t.at[idxu_v], ug_v, sem),
                pltpu.async_copy(packed_t.at[idxi_v], ig_v, sem),
            ]
            for cp in cps:
                cp.wait()
            pltpu.sync_copy(ug_v, g_out.at[pl.ds(off, CHG), pl.ds(0, 2 * D)])
            pltpu.sync_copy(ig_v,
                            g_out.at[pl.ds(off, CHG), pl.ds(2 * D, 2 * D)])

    return _sc_gather_gmf


BT = 2048


def _mlp_body(grow, um, im, w1a, w1b, b1, w2t, b2, w3t, b3,
              wpg, wpm, bp, out):
    h = jnp.dot(um[...], w1a[...], preferred_element_type=jnp.float32)
    h = h + jnp.dot(im[...], w1b[...], preferred_element_type=jnp.float32)
    h = jnp.maximum(h + b1[...], 0.0)
    h = jnp.maximum(jnp.dot(h, w2t[...], preferred_element_type=jnp.float32)
                    + b2[...], 0.0)
    m = jnp.maximum(jnp.dot(h, w3t[...], preferred_element_type=jnp.float32)
                    + b3[...], 0.0)
    g = grow[...][:, :D] * grow[...][:, 3 * D:]
    out[...] = (jnp.sum(g * wpg[...], axis=1, keepdims=True)
                + jnp.sum(m * wpm[...], axis=1, keepdims=True) + bp[...])


def _tc_mlp(grow, um, im, w1a, w1b, b1, w2t, b2, w3t, b3, wpg, wpm, bp):
    full = lambda shape: pl.BlockSpec(shape, lambda i: (0,) * len(shape))
    return pl.pallas_call(
        _mlp_body,
        grid=(B // BT,),
        in_specs=[
            pl.BlockSpec((BT, 4 * D), lambda i: (i, 0)),
            pl.BlockSpec((BT, DM), lambda i: (i, 0)),
            pl.BlockSpec((BT, DM), lambda i: (i, 0)),
            full((DM, DM)),
            full((DM, DM)),
            full((1, DM)),
            full((DM, 128)),
            full((1, 128)),
            full((128, D)),
            full((1, D)),
            full((1, D)),
            full((1, D)),
            full((1, 1)),
        ],
        out_specs=pl.BlockSpec((BT, 1), lambda i: (i, 0)),
        out_shape=jax.ShapeDtypeStruct((B, 1), jnp.float32),
    )(grow, um, im, w1a, w1b, b1, w2t, b2, w3t, b3, wpg, wpm, bp)


def kernel(user, item, rating, embed_user_GMF, embed_item_GMF,
           embed_user_MLP, embed_item_MLP, W1, b1, W2, b2, W3, b3, Wp, bp):
    user = user.astype(jnp.int32)
    item = item.astype(jnp.int32)
    packed = jnp.concatenate([embed_user_GMF, embed_item_GMF], axis=1)
    um, im = _get_sc_gather_mlp()(user, item, embed_user_MLP, embed_item_MLP)
    tick = (um[0, 0] * 0.0).astype(jnp.int32)
    grow = _get_sc_gather_gmf()(user + tick, item + tick, packed)
    w1t = W1.T
    out = _tc_mlp(grow, um, im, w1t[:DM], w1t[DM:], b1.reshape(1, -1), W2.T,
                  b2.reshape(1, -1), W3.T, b3.reshape(1, -1),
                  Wp[:, :D].reshape(1, D), Wp[:, D:].reshape(1, D),
                  bp.reshape(1, 1))
    return (out, rating)

# --- scband reference (transcript-rebuilt; emitter-appended) ---
"""Pipeline reference for scband-ncf-41128606826696 (READ-ONLY COPY).

The authoritative reference and input builder live on the scoring server;
editing this copy changes nothing except your own understanding.
"""

import jax, jax.numpy as jnp
import numpy as np

B = 16384
U = 100000
I = 100000
D = 64
DM = 256  # embedding_dim * 2**(num_layers-1)


def setup_inputs(seed: int = 0) -> dict:
    key = jax.random.key(seed)
    ks = jax.random.split(key, 16)
    user = jax.random.randint(ks[0], (B,), 0, U, dtype=jnp.int64) if jax.config.jax_enable_x64 else jax.random.randint(ks[0], (B,), 0, U, dtype=jnp.int32)
    item = jax.random.randint(ks[1], (B,), 0, I, dtype=jnp.int32)
    rating = jax.random.uniform(ks[2], (B,), dtype=jnp.float32)
    embed_user_GMF = jax.random.normal(ks[3], (U, D), dtype=jnp.float32) * 0.01
    embed_item_GMF = jax.random.normal(ks[4], (I, D), dtype=jnp.float32) * 0.01
    embed_user_MLP = jax.random.normal(ks[5], (U, DM), dtype=jnp.float32) * 0.01
    embed_item_MLP = jax.random.normal(ks[6], (I, DM), dtype=jnp.float32) * 0.01
    # MLP layers: 512->256, 256->128, 128->64 (torch Linear: weight [out,in])
    W1 = jax.random.normal(ks[7], (256, 512), dtype=jnp.float32) * 0.05
    b1 = jnp.zeros((256,), dtype=jnp.float32)
    W2 = jax.random.normal(ks[8], (128, 256), dtype=jnp.float32) * 0.05
    b2 = jnp.zeros((128,), dtype=jnp.float32)
    W3 = jax.random.normal(ks[9], (64, 128), dtype=jnp.float32) * 0.05
    b3 = jnp.zeros((64,), dtype=jnp.float32)
    # predict layer: 128 -> 1 (NeuMF concat of GMF(64) + MLP(64))
    Wp = jax.random.normal(ks[10], (1, 128), dtype=jnp.float32) * 0.05
    bp = jnp.zeros((1,), dtype=jnp.float32)
    return {
        'user': user, 'item': item, 'rating': rating,
        'embed_user_GMF': embed_user_GMF, 'embed_item_GMF': embed_item_GMF,
        'embed_user_MLP': embed_user_MLP, 'embed_item_MLP': embed_item_MLP,
        'W1': W1, 'b1': b1, 'W2': W2, 'b2': b2, 'W3': W3, 'b3': b3,
        'Wp': Wp, 'bp': bp,
    }


def reference(user, item, rating, embed_user_GMF, embed_item_GMF,
              embed_user_MLP, embed_item_MLP, W1, b1, W2, b2, W3, b3, Wp, bp):
    # model_name == 'NeuMF-end': both GMF and MLP branches; dropout p=0.0 (identity, eval)
    eu_g = jnp.take(embed_user_GMF, user, axis=0)
    ei_g = jnp.take(embed_item_GMF, item, axis=0)
    output_GMF = eu_g * ei_g
    eu_m = jnp.take(embed_user_MLP, user, axis=0)
    ei_m = jnp.take(embed_item_MLP, item, axis=0)
    interaction = jnp.concatenate([eu_m, ei_m], axis=1)
    h = jax.nn.relu(interaction @ W1.T + b1)
    h = jax.nn.relu(h @ W2.T + b2)
    output_MLP = jax.nn.relu(h @ W3.T + b3)
    concat = jnp.concatenate([output_GMF, output_MLP], axis=-1)
    out = concat @ Wp.T + bp
    # model is 'NeuMF-end' -> no final ReLU
    return (out, rating)

if __name__ == "__main__":
    import jax
    _d = setup_inputs()
    print(jax.jit(kernel)(*tuple(_d.values())))

</pallas_src>

<mosaic_0001>
#map = affine_map<(d0, d1) -> (0)>
#map1 = affine_map<(d0, d1) -> (0, 0)>
module attributes {stable_mosaic.version = 14 : i64} {
  func.func @_sc_gather_mlp(%arg0: i32, %arg1: i32, %arg2: memref<16384xi32, #tpu.memory_space<hbm>>, %arg3: memref<16384xi32, #tpu.memory_space<hbm>>, %arg4: memref<100000x256xf32, #tpu.memory_space<hbm>>, %arg5: memref<100000x256xf32, #tpu.memory_space<hbm>>, %arg6: memref<16384x256xf32, #tpu.memory_space<hbm>>, %arg7: memref<16384x256xf32, #tpu.memory_space<hbm>>, %arg8: memref<128xi32, #tpu.memory_space<vmem>>, %arg9: memref<128xi32, #tpu.memory_space<vmem>>, %arg10: memref<128x256xf32, #tpu.memory_space<vmem>>, %arg11: memref<128x256xf32, #tpu.memory_space<vmem>>, %arg12: memref<!tpu.dma_semaphore, #tpu.memory_space<semaphore_mem>>) attributes {dimension_semantics = [#tpu.dimension_semantics<core_parallel>, #tpu.dimension_semantics<subcore_parallel>], iteration_bounds = array<i64: 2, 16>, scalar_prefetch = 0 : i64, scratch_operands = 5 : i64, tpu.core_type = #tpu.core_type<sc_vector_subcore>, window_params = [{transform_indices = #map}, {transform_indices = #map}, {transform_indices = #map1}, {transform_indices = #map1}, {transform_indices = #map1}, {transform_indices = #map1}]} {
    %mul3A = arith.constant 2 : i32
    %mul3A_0 = arith.muli %arg1, %mul3A : i32
    %add3A = arith.addi %mul3A_0, %arg0 : i32
    %mul3A_1 = arith.constant 512 : i32
    %mul3A_2 = arith.muli %add3A, %mul3A_1 : i32
    %add3A_3 = arith.constant 0 : i32
    %add3A_4 = arith.addi %mul3A_2, %add3A_3 : i32
    "tpu.region"() ({
      %run_scoped3A = tpu.sem_alloc : memref<!tpu.dma_semaphore, #tpu.memory_space<semaphore_mem>>
      %dma_start3A_57 = tpu.memref_slice %arg2[%add3A_4] : memref<16384xi32, #tpu.memory_space<hbm>> -> memref<128xi32, #tpu.memory_space<hbm>>
      %dma_start3A_58 = tpu.memref_slice %arg2[%add3A_4] : memref<16384xi32, #tpu.memory_space<hbm>> -> memref<128xi32, #tpu.memory_space<hbm>>
      tpu.enqueue_dma source(%dma_start3A_58 : memref<128xi32, #tpu.memory_space<hbm>>) target(%arg8 : memref<128xi32, #tpu.memory_space<vmem>>) target_semaphore(%run_scoped3A : memref<!tpu.dma_semaphore, #tpu.memory_space<semaphore_mem>>)
      %dma_wait3A_59 = tpu.memref_slice %arg2[%add3A_4] : memref<16384xi32, #tpu.memory_space<hbm>> -> memref<128xi32, #tpu.memory_space<hbm>>
      %dma_wait3A_60 = tpu.memref_slice %arg2[%add3A_4] : memref<16384xi32, #tpu.memory_space<hbm>> -> memref<128xi32, #tpu.memory_space<hbm>>
      tpu.wait_dma2 semaphore(%run_scoped3A : memref<!tpu.dma_semaphore, #tpu.memory_space<semaphore_mem>>) src(%dma_wait3A_60 : memref<128xi32, #tpu.memory_space<hbm>>) dst(%arg8 : memref<128xi32, #tpu.memory_space<vmem>>)
      tpu.yield
    }) : () -> ()
    "tpu.region"() ({
      %run_scoped3A = tpu.sem_alloc : memref<!tpu.dma_semaphore, #tpu.memory_space<semaphore_mem>>
      %dma_start3A_57 = tpu.memref_slice %arg3[%add3A_4] : memref<16384xi32, #tpu.memory_space<hbm>> -> memref<128xi32, #tpu.memory_space<hbm>>
      %dma_start3A_58 = tpu.memref_slice %arg3[%add3A_4] : memref<16384xi32, #tpu.memory_space<hbm>> -> memref<128xi32, #tpu.memory_space<hbm>>
      tpu.enqueue_dma source(%dma_start3A_58 : memref<128xi32, #tpu.memory_space<hbm>>) target(%arg9 : memref<128xi32, #tpu.memory_space<vmem>>) target_semaphore(%run_scoped3A : memref<!tpu.dma_semaphore, #tpu.memory_space<semaphore_mem>>)
      %dma_wait3A_59 = tpu.memref_slice %arg3[%add3A_4] : memref<16384xi32, #tpu.memory_space<hbm>> -> memref<128xi32, #tpu.memory_space<hbm>>
      %dma_wait3A_60 = tpu.memref_slice %arg3[%add3A_4] : memref<16384xi32, #tpu.memory_space<hbm>> -> memref<128xi32, #tpu.memory_space<hbm>>
      tpu.wait_dma2 semaphore(%run_scoped3A : memref<!tpu.dma_semaphore, #tpu.memory_space<semaphore_mem>>) src(%dma_wait3A_60 : memref<128xi32, #tpu.memory_space<hbm>>) dst(%arg9 : memref<128xi32, #tpu.memory_space<vmem>>)
      tpu.yield
    }) : () -> ()
    %dma_start3A = arith.constant 0 : i32
    %dma_start3A_5 = arith.constant 0 : i32
    %dma_start3A_6 = tpu.memref_slice %arg4[%dma_start3A, %dma_start3A_5] : memref<100000x256xf32, #tpu.memory_space<hbm>> -> memref<100000x256xf32, #tpu.memory_space<hbm>>
    tpu.enqueue_indirect_dma source(%dma_start3A_6 : memref<100000x256xf32, #tpu.memory_space<hbm>>) target(%arg10 : memref<128x256xf32, #tpu.memory_space<vmem>>) offsets(%arg8 : memref<128xi32, #tpu.memory_space<vmem>>) semaphore(%arg12 : memref<!tpu.dma_semaphore, #tpu.memory_space<semaphore_mem>>)
    %dma_start3A_7 = arith.constant 0 : i32
    %dma_start3A_8 = arith.constant 0 : i32
    %dma_start3A_9 = tpu.memref_slice %arg5[%dma_start3A_7, %dma_start3A_8] : memref<100000x256xf32, #tpu.memory_space<hbm>> -> memref<100000x256xf32, #tpu.memory_space<hbm>>
    tpu.enqueue_indirect_dma source(%dma_start3A_9 : memref<100000x256xf32, #tpu.memory_space<hbm>>) target(%arg11 : memref<128x256xf32, #tpu.memory_space<vmem>>) offsets(%arg9 : memref<128xi32, #tpu.memory_space<vmem>>) semaphore(%arg12 : memref<!tpu.dma_semaphore, #tpu.memory_space<semaphore_mem>>)
    %dma_wait3A = arith.constant 0 : i32
    %dma_wait3A_10 = arith.constant 0 : i32
    %dma_wait3A_11 = tpu.memref_slice %arg4[%dma_wait3A, %dma_wait3A_10] : memref<100000x256xf32, #tpu.memory_space<hbm>> -> memref<100000x256xf32, #tpu.memory_space<hbm>>
    tpu.wait_indirect_dma semaphore(%arg12 : memref<!tpu.dma_semaphore, #tpu.memory_space<semaphore_mem>>) src(%dma_wait3A_11 : memref<100000x256xf32, #tpu.memory_space<hbm>>) dst(%arg10 : memref<128x256xf32, #tpu.memory_space<vmem>>)
    %dma_wait3A_12 = arith.constant 0 : i32
    %dma_wait3A_13 = arith.constant 0 : i32
    %dma_wait3A_14 = tpu.memref_slice %arg5[%dma_wait3A_12, %dma_wait3A_13] : memref<100000x256xf32, #tpu.memory_space<hbm>> -> memref<100000x256xf32, #tpu.memory_space<hbm>>
    tpu.wait_indirect_dma semaphore(%arg12 : memref<!tpu.dma_semaphore, #tpu.memory_space<semaphore_mem>>) src(%dma_wait3A_14 : memref<100000x256xf32, #tpu.memory_space<hbm>>) dst(%arg11 : memref<128x256xf32, #tpu.memory_space<vmem>>)
    "tpu.region"() ({
      %run_scoped3A = tpu.sem_alloc : memref<!tpu.dma_semaphore, #tpu.memory_space<semaphore_mem>>
      %dma_start3A_57 = arith.constant 0 : i32
      %dma_start3A_58 = tpu.memref_slice %arg6[%add3A_4, %dma_start3A_57] : memref<16384x256xf32, #tpu.memory_space<hbm>> -> memref<128x256xf32, #tpu.memory_space<hbm>>
      %dma_start3A_59 = arith.constant 0 : i32
      %dma_start3A_60 = tpu.memref_slice %arg6[%add3A_4, %dma_start3A_59] : memref<16384x256xf32, #tpu.memory_space<hbm>> -> memref<128x256xf32, #tpu.memory_space<hbm>>
      tpu.enqueue_dma source(%arg10 : memref<128x256xf32, #tpu.memory_space<vmem>>) target(%dma_start3A_60 : memref<128x256xf32, #tpu.memory_space<hbm>>) target_semaphore(%run_scoped3A : memref<!tpu.dma_semaphore, #tpu.memory_space<semaphore_mem>>)
      %dma_wait3A_61 = arith.constant 0 : i32
      %dma_wait3A_62 = tpu.memref_slice %arg6[%add3A_4, %dma_wait3A_61] : memref<16384x256xf32, #tpu.memory_space<hbm>> -> memref<128x256xf32, #tpu.memory_space<hbm>>
      %dma_wait3A_63 = arith.constant 0 : i32
      %dma_wait3A_64 = tpu.memref_slice %arg6[%add3A_4, %dma_wait3A_63] : memref<16384x256xf32, #tpu.memory_space<hbm>> -> memref<128x256xf32, #tpu.memory_space<hbm>>
      tpu.wait_dma2 semaphore(%run_scoped3A : memref<!tpu.dma_semaphore, #tpu.memory_space<semaphore_mem>>) src(%arg10 : memref<128x256xf32, #tpu.memory_space<vmem>>) dst(%dma_wait3A_64 : memref<128x256xf32, #tpu.memory_space<hbm>>)
      tpu.yield
    }) : () -> ()
    "tpu.region"() ({
      %run_scoped3A = tpu.sem_alloc : memref<!tpu.dma_semaphore, #tpu.memory_space<semaphore_mem>>
      %dma_start3A_57 = arith.constant 0 : i32
      %dma_start3A_58 = tpu.memref_slice %arg7[%add3A_4, %dma_start3A_57] : memref<16384x256xf32, #tpu.memory_space<hbm>> -> memref<128x256xf32, #tpu.memory_space<hbm>>
      %dma_start3A_59 = arith.constant 0 : i32
      %dma_start3A_60 = tpu.memref_slice %arg7[%add3A_4, %dma_start3A_59] : memref<16384x256xf32, #tpu.memory_space<hbm>> -> memref<128x256xf32, #tpu.memory_space<hbm>>
      tpu.enqueue_dma source(%arg11 : memref<128x256xf32, #tpu.memory_space<vmem>>) target(%dma_start3A_60 : memref<128x256xf32, #tpu.memory_space<hbm>>) target_semaphore(%run_scoped3A : memref<!tpu.dma_semaphore, #tpu.memory_space<semaphore_mem>>)
      %dma_wait3A_61 = arith.constant 0 : i32
      %dma_wait3A_62 = tpu.memref_slice %arg7[%add3A_4, %dma_wait3A_61] : memref<16384x256xf32, #tpu.memory_space<hbm>> -> memref<128x256xf32, #tpu.memory_space<hbm>>
      %dma_wait3A_63 = arith.constant 0 : i32
      %dma_wait3A_64 = tpu.memref_slice %arg7[%add3A_4, %dma_wait3A_63] : memref<16384x256xf32, #tpu.memory_space<hbm>> -> memref<128x256xf32, #tpu.memory_space<hbm>>
      tpu.wait_dma2 semaphore(%run_scoped3A : memref<!tpu.dma_semaphore, #tpu.memory_space<semaphore_mem>>) src(%arg11 : memref<128x256xf32, #tpu.memory_space<vmem>>) dst(%dma_wait3A_64 : memref<128x256xf32, #tpu.memory_space<hbm>>)
      tpu.yield
    }) : () -> ()
    %add3A_15 = arith.constant 128 : i32
    %add3A_16 = arith.addi %mul3A_2, %add3A_15 : i32
    "tpu.region"() ({
      %run_scoped3A = tpu.sem_alloc : memref<!tpu.dma_semaphore, #tpu.memory_space<semaphore_mem>>
      %dma_start3A_57 = tpu.memref_slice %arg2[%add3A_16] : memref<16384xi32, #tpu.memory_space<hbm>> -> memref<128xi32, #tpu.memory_space<hbm>>
      %dma_start3A_58 = tpu.memref_slice %arg2[%add3A_16] : memref<16384xi32, #tpu.memory_space<hbm>> -> memref<128xi32, #tpu.memory_space<hbm>>
      tpu.enqueue_dma source(%dma_start3A_58 : memref<128xi32, #tpu.memory_space<hbm>>) target(%arg8 : memref<128xi32, #tpu.memory_space<vmem>>) target_semaphore(%run_scoped3A : memref<!tpu.dma_semaphore, #tpu.memory_space<semaphore_mem>>)
      %dma_wait3A_59 = tpu.memref_slice %arg2[%add3A_16] : memref<16384xi32, #tpu.memory_space<hbm>> -> memref<128xi32, #tpu.memory_space<hbm>>
      %dma_wait3A_60 = tpu.memref_slice %arg2[%add3A_16] : memref<16384xi32, #tpu.memory_space<hbm>> -> memref<128xi32, #tpu.memory_space<hbm>>
      tpu.wait_dma2 semaphore(%run_scoped3A : memref<!tpu.dma_semaphore, #tpu.memory_space<semaphore_mem>>) src(%dma_wait3A_60 : memref<128xi32, #tpu.memory_space<hbm>>) dst(%arg8 : memref<128xi32, #tpu.memory_space<vmem>>)
      tpu.yield
    }) : () -> ()
    "tpu.region"() ({
      %run_scoped3A = tpu.sem_alloc : memref<!tpu.dma_semaphore, #tpu.memory_space<semaphore_mem>>
      %dma_start3A_57 = tpu.memref_slice %arg3[%add3A_16] : memref<16384xi32, #tpu.memory_space<hbm>> -> memref<128xi32, #tpu.memory_space<hbm>>
      %dma_start3A_58 = tpu.memref_slice %arg3[%add3A_16] : memref<16384xi32, #tpu.memory_space<hbm>> -> memref<128xi32, #tpu.memory_space<hbm>>
      tpu.enqueue_dma source(%dma_start3A_58 : memref<128xi32, #tpu.memory_space<hbm>>) target(%arg9 : memref<128xi32, #tpu.memory_space<vmem>>) target_semaphore(%run_scoped3A : memref<!tpu.dma_semaphore, #tpu.memory_space<semaphore_mem>>)
      %dma_wait3A_59 = tpu.memref_slice %arg3[%add3A_16] : memref<16384xi32, #tpu.memory_space<hbm>> -> memref<128xi32, #tpu.memory_space<hbm>>
      %dma_wait3A_60 = tpu.memref_slice %arg3[%add3A_16] : memref<16384xi32, #tpu.memory_space<hbm>> -> memref<128xi32, #tpu.memory_space<hbm>>
      tpu.wait_dma2 semaphore(%run_scoped3A : memref<!tpu.dma_semaphore, #tpu.memory_space<semaphore_mem>>) src(%dma_wait3A_60 : memref<128xi32, #tpu.memory_space<hbm>>) dst(%arg9 : memref<128xi32, #tpu.memory_space<vmem>>)
      tpu.yield
    }) : () -> ()
    %dma_start3A_17 = arith.constant 0 : i32
    %dma_start3A_18 = arith.constant 0 : i32
    %dma_start3A_19 = tpu.memref_slice %arg4[%dma_start3A_17, %dma_start3A_18] : memref<100000x256xf32, #tpu.memory_space<hbm>> -> memref<100000x256xf32, #tpu.memory_space<hbm>>
    tpu.enqueue_indirect_dma source(%dma_start3A_19 : memref<100000x256xf32, #tpu.memory_space<hbm>>) target(%arg10 : memref<128x256xf32, #tpu.memory_space<vmem>>) offsets(%arg8 : memref<128xi32, #tpu.memory_space<vmem>>) semaphore(%arg12 : memref<!tpu.dma_semaphore, #tpu.memory_space<semaphore_mem>>)
    %dma_start3A_20 = arith.constant 0 : i32
    %dma_start3A_21 = arith.constant 0 : i32
    %dma_start3A_22 = tpu.memref_slice %arg5[%dma_start3A_20, %dma_start3A_21] : memref<100000x256xf32, #tpu.memory_space<hbm>> -> memref<100000x256xf32, #tpu.memory_space<hbm>>
    tpu.enqueue_indirect_dma source(%dma_start3A_22 : memref<100000x256xf32, #tpu.memory_space<hbm>>) target(%arg11 : memref<128x256xf32, #tpu.memory_space<vmem>>) offsets(%arg9 : memref<128xi32, #tpu.memory_space<vmem>>) semaphore(%arg12 : memref<!tpu.dma_semaphore, #tpu.memory_space<semaphore_mem>>)
    %dma_wait3A_23 = arith.constant 0 : i32
    %dma_wait3A_24 = arith.constant 0 : i32
    %dma_wait3A_25 = tpu.memref_slice %arg4[%dma_wait3A_23, %dma_wait3A_24] : memref<100000x256xf32, #tpu.memory_space<hbm>> -> memref<100000x256xf32, #tpu.memory_space<hbm>>
    tpu.wait_indirect_dma semaphore(%arg12 : memref<!tpu.dma_semaphore, #tpu.memory_space<semaphore_mem>>) src(%dma_wait3A_25 : memref<100000x256xf32, #tpu.memory_space<hbm>>) dst(%arg10 : memref<128x256xf32, #tpu.memory_space<vmem>>)
    %dma_wait3A_26 = arith.constant 0 : i32
    %dma_wait3A_27 = arith.constant 0 : i32
    %dma_wait3A_28 = tpu.memref_slice %arg5[%dma_wait3A_26, %dma_wait3A_27] : memref<100000x256xf32, #tpu.memory_space<hbm>> -> memref<100000x256xf32, #tpu.memory_space<hbm>>
    tpu.wait_indirect_dma semaphore(%arg12 : memref<!tpu.dma_semaphore, #tpu.memory_space<semaphore_mem>>) src(%dma_wait3A_28 : memref<100000x256xf32, #tpu.memory_space<hbm>>) dst(%arg11 : memref<128x256xf32, #tpu.memory_space<vmem>>)
    "tpu.region"() ({
      %run_scoped3A = tpu.sem_alloc : memref<!tpu.dma_semaphore, #tpu.memory_space<semaphore_mem>>
      %dma_start3A_57 = arith.constant 0 : i32
      %dma_start3A_58 = tpu.memref_slice %arg6[%add3A_16, %dma_start3A_57] : memref<16384x256xf32, #tpu.memory_space<hbm>> -> memref<128x256xf32, #tpu.memory_space<hbm>>
      %dma_start3A_59 = arith.constant 0 : i32
      %dma_start3A_60 = tpu.memref_slice %arg6[%add3A_16, %dma_start3A_59] : memref<16384x256xf32, #tpu.memory_space<hbm>> -> memref<128x256xf32, #tpu.memory_space<hbm>>
      tpu.enqueue_dma source(%arg10 : memref<128x256xf32, #tpu.memory_space<vmem>>) target(%dma_start3A_60 : memref<128x256xf32, #tpu.memory_space<hbm>>) target_semaphore(%run_scoped3A : memref<!tpu.dma_semaphore, #tpu.memory_space<semaphore_mem>>)
      %dma_wait3A_61 = arith.constant 0 : i32
      %dma_wait3A_62 = tpu.memref_slice %arg6[%add3A_16, %dma_wait3A_61] : memref<16384x256xf32, #tpu.memory_space<hbm>> -> memref<128x256xf32, #tpu.memory_space<hbm>>
      %dma_wait3A_63 = arith.constant 0 : i32
      %dma_wait3A_64 = tpu.memref_slice %arg6[%add3A_16, %dma_wait3A_63] : memref<16384x256xf32, #tpu.memory_space<hbm>> -> memref<128x256xf32, #tpu.memory_space<hbm>>
      tpu.wait_dma2 semaphore(%run_scoped3A : memref<!tpu.dma_semaphore, #tpu.memory_space<semaphore_mem>>) src(%arg10 : memref<128x256xf32, #tpu.memory_space<vmem>>) dst(%dma_wait3A_64 : memref<128x256xf32, #tpu.memory_space<hbm>>)
      tpu.yield
    }) : () -> ()
    "tpu.region"() ({
      %run_scoped3A = tpu.sem_alloc : memref<!tpu.dma_semaphore, #tpu.memory_space<semaphore_mem>>
      %dma_start3A_57 = arith.constant 0 : i32
      %dma_start3A_58 = tpu.memref_slice %arg7[%add3A_16, %dma_start3A_57] : memref<16384x256xf32, #tpu.memory_space<hbm>> -> memref<128x256xf32, #tpu.memory_space<hbm>>
      %dma_start3A_59 = arith.constant 0 : i32
      %dma_start3A_60 = tpu.memref_slice %arg7[%add3A_16, %dma_start3A_59] : memref<16384x256xf32, #tpu.memory_space<hbm>> -> memref<128x256xf32, #tpu.memory_space<hbm>>
      tpu.enqueue_dma source(%arg11 : memref<128x256xf32, #tpu.memory_space<vmem>>) target(%dma_start3A_60 : memref<128x256xf32, #tpu.memory_space<hbm>>) target_semaphore(%run_scoped3A : memref<!tpu.dma_semaphore, #tpu.memory_space<semaphore_mem>>)
      %dma_wait3A_61 = arith.constant 0 : i32
      %dma_wait3A_62 = tpu.memref_slice %arg7[%add3A_16, %dma_wait3A_61] : memref<16384x256xf32, #tpu.memory_space<hbm>> -> memref<128x256xf32, #tpu.memory_space<hbm>>
      %dma_wait3A_63 = arith.constant 0 : i32
      %dma_wait3A_64 = tpu.memref_slice %arg7[%add3A_16, %dma_wait3A_63] : memref<16384x256xf32, #tpu.memory_space<hbm>> -> memref<128x256xf32, #tpu.memory_space<hbm>>
      tpu.wait_dma2 semaphore(%run_scoped3A : memref<!tpu.dma_semaphore, #tpu.memory_space<semaphore_mem>>) src(%arg11 : memref<128x256xf32, #tpu.memory_space<vmem>>) dst(%dma_wait3A_64 : memref<128x256xf32, #tpu.memory_space<hbm>>)
      tpu.yield
    }) : () -> ()
    %add3A_29 = arith.constant 256 : i32
    %add3A_30 = arith.addi %mul3A_2, %add3A_29 : i32
    "tpu.region"() ({
      %run_scoped3A = tpu.sem_alloc : memref<!tpu.dma_semaphore, #tpu.memory_space<semaphore_mem>>
      %dma_start3A_57 = tpu.memref_slice %arg2[%add3A_30] : memref<16384xi32, #tpu.memory_space<hbm>> -> memref<128xi32, #tpu.memory_space<hbm>>
      %dma_start3A_58 = tpu.memref_slice %arg2[%add3A_30] : memref<16384xi32, #tpu.memory_space<hbm>> -> memref<128xi32, #tpu.memory_space<hbm>>
      tpu.enqueue_dma source(%dma_start3A_58 : memref<128xi32, #tpu.memory_space<hbm>>) target(%arg8 : memref<128xi32, #tpu.memory_space<vmem>>) target_semaphore(%run_scoped3A : memref<!tpu.dma_semaphore, #tpu.memory_space<semaphore_mem>>)
      %dma_wait3A_59 = tpu.memref_slice %arg2[%add3A_30] : memref<16384xi32, #tpu.memory_space<hbm>> -> memref<128xi32, #tpu.memory_space<hbm>>
      %dma_wait3A_60 = tpu.memref_slice %arg2[%add3A_30] : memref<16384xi32, #tpu.memory_space<hbm>> -> memref<128xi32, #tpu.memory_space<hbm>>
      tpu.wait_dma2 semaphore(%run_scoped3A : memref<!tpu.dma_semaphore, #tpu.memory_space<semaphore_mem>>) src(%dma_wait3A_60 : memref<128xi32, #tpu.memory_space<hbm>>) dst(%arg8 : memref<128xi32, #tpu.memory_space<vmem>>)
      tpu.yield
    }) : () -> ()
    "tpu.region"() ({
      %run_scoped3A = tpu.sem_alloc : memref<!tpu.dma_semaphore, #tpu.memory_space<semaphore_mem>>
      %dma_start3A_57 = tpu.memref_slice %arg3[%add3A_30] : memref<16384xi32, #tpu.memory_space<hbm>> -> memref<128xi32, #tpu.memory_space<hbm>>
      %dma_start3A_58 = tpu.memref_slice %arg3[%add3A_30] : memref<16384xi32, #tpu.memory_space<hbm>> -> memref<128xi32, #tpu.memory_space<hbm>>
      tpu.enqueue_dma source(%dma_start3A_58 : memref<128xi32, #tpu.memory_space<hbm>>) target(%arg9 : memref<128xi32, #tpu.memory_space<vmem>>) target_semaphore(%run_scoped3A : memref<!tpu.dma_semaphore, #tpu.memory_space<semaphore_mem>>)
      %dma_wait3A_59 = tpu.memref_slice %arg3[%add3A_30] : memref<16384xi32, #tpu.memory_space<hbm>> -> memref<128xi32, #tpu.memory_space<hbm>>
      %dma_wait3A_60 = tpu.memref_slice %arg3[%add3A_30] : memref<16384xi32, #tpu.memory_space<hbm>> -> memref<128xi32, #tpu.memory_space<hbm>>
      tpu.wait_dma2 semaphore(%run_scoped3A : memref<!tpu.dma_semaphore, #tpu.memory_space<semaphore_mem>>) src(%dma_wait3A_60 : memref<128xi32, #tpu.memory_space<hbm>>) dst(%arg9 : memref<128xi32, #tpu.memory_space<vmem>>)
      tpu.yield
    }) : () -> ()
    %dma_start3A_31 = arith.constant 0 : i32
    %dma_start3A_32 = arith.constant 0 : i32
    %dma_start3A_33 = tpu.memref_slice %arg4[%dma_start3A_31, %dma_start3A_32] : memref<100000x256xf32, #tpu.memory_space<hbm>> -> memref<100000x256xf32, #tpu.memory_space<hbm>>
    tpu.enqueue_indirect_dma source(%dma_start3A_33 : memref<100000x256xf32, #tpu.memory_space<hbm>>) target(%arg10 : memref<128x256xf32, #tpu.memory_space<vmem>>) offsets(%arg8 : memref<128xi32, #tpu.memory_space<vmem>>) semaphore(%arg12 : memref<!tpu.dma_semaphore, #tpu.memory_space<semaphore_mem>>)
    %dma_start3A_34 = arith.constant 0 : i32
    %dma_start3A_35 = arith.constant 0 : i32
    %dma_start3A_36 = tpu.memref_slice %arg5[%dma_start3A_34, %dma_start3A_35] : memref<100000x256xf32, #tpu.memory_space<hbm>> -> memref<100000x256xf32, #tpu.memory_space<hbm>>
    tpu.enqueue_indirect_dma source(%dma_start3A_36 : memref<100000x256xf32, #tpu.memory_space<hbm>>) target(%arg11 : memref<128x256xf32, #tpu.memory_space<vmem>>) offsets(%arg9 : memref<128xi32, #tpu.memory_space<vmem>>) semaphore(%arg12 : memref<!tpu.dma_semaphore, #tpu.memory_space<semaphore_mem>>)
    %dma_wait3A_37 = arith.constant 0 : i32
    %dma_wait3A_38 = arith.constant 0 : i32
    %dma_wait3A_39 = tpu.memref_slice %arg4[%dma_wait3A_37, %dma_wait3A_38] : memref<100000x256xf32, #tpu.memory_space<hbm>> -> memref<100000x256xf32, #tpu.memory_space<hbm>>
    tpu.wait_indirect_dma semaphore(%arg12 : memref<!tpu.dma_semaphore, #tpu.memory_space<semaphore_mem>>) src(%dma_wait3A_39 : memref<100000x256xf32, #tpu.memory_space<hbm>>) dst(%arg10 : memref<128x256xf32, #tpu.memory_space<vmem>>)
    %dma_wait3A_40 = arith.constant 0 : i32
    %dma_wait3A_41 = arith.constant 0 : i32
    %dma_wait3A_42 = tpu.memref_slice %arg5[%dma_wait3A_40, %dma_wait3A_41] : memref<100000x256xf32, #tpu.memory_space<hbm>> -> memref<100000x256xf32, #tpu.memory_space<hbm>>
    tpu.wait_indirect_dma semaphore(%arg12 : memref<!tpu.dma_semaphore, #tpu.memory_space<semaphore_mem>>) src(%dma_wait3A_42 : memref<100000x256xf32, #tpu.memory_space<hbm>>) dst(%arg11 : memref<128x256xf32, #tpu.memory_space<vmem>>)
    "tpu.region"() ({
      %run_scoped3A = tpu.sem_alloc : memref<!tpu.dma_semaphore, #tpu.memory_space<semaphore_mem>>
      %dma_start3A_57 = arith.constant 0 : i32
      %dma_start3A_58 = tpu.memref_slice %arg6[%add3A_30, %dma_start3A_57] : memref<16384x256xf32, #tpu.memory_space<hbm>> -> memref<128x256xf32, #tpu.memory_space<hbm>>
      %dma_start3A_59 = arith.constant 0 : i32
      %dma_start3A_60 = tpu.memref_slice %arg6[%add3A_30, %dma_start3A_59] : memref<16384x256xf32, #tpu.memory_space<hbm>> -> memref<128x256xf32, #tpu.memory_space<hbm>>
      tpu.enqueue_dma source(%arg10 : memref<128x256xf32, #tpu.memory_space<vmem>>) target(%dma_start3A_60 : memref<128x256xf32, #tpu.memory_space<hbm>>) target_semaphore(%run_scoped3A : memref<!tpu.dma_semaphore, #tpu.memory_space<semaphore_mem>>)
      %dma_wait3A_61 = arith.constant 0 : i32
      %dma_wait3A_62 = tpu.memref_slice %arg6[%add3A_30, %dma_wait3A_61] : memref<16384x256xf32, #tpu.memory_space<hbm>> -> memref<128x256xf32, #tpu.memory_space<hbm>>
      %dma_wait3A_63 = arith.constant 0 : i32
      %dma_wait3A_64 = tpu.memref_slice %arg6[%add3A_30, %dma_wait3A_63] : memref<16384x256xf32, #tpu.memory_space<hbm>> -> memref<128x256xf32, #tpu.memory_space<hbm>>
      tpu.wait_dma2 semaphore(%run_scoped3A : memref<!tpu.dma_semaphore, #tpu.memory_space<semaphore_mem>>) src(%arg10 : memref<128x256xf32, #tpu.memory_space<vmem>>) dst(%dma_wait3A_64 : memref<128x256xf32, #tpu.memory_space<hbm>>)
      tpu.yield
    }) : () -> ()
    "tpu.region"() ({
      %run_scoped3A = tpu.sem_alloc : memref<!tpu.dma_semaphore, #tpu.memory_space<semaphore_mem>>
      %dma_start3A_57 = arith.constant 0 : i32
      %dma_start3A_58 = tpu.memref_slice %arg7[%add3A_30, %dma_start3A_57] : memref<16384x256xf32, #tpu.memory_space<hbm>> -> memref<128x256xf32, #tpu.memory_space<hbm>>
      %dma_start3A_59 = arith.constant 0 : i32
      %dma_start3A_60 = tpu.memref_slice %arg7[%add3A_30, %dma_start3A_59] : memref<16384x256xf32, #tpu.memory_space<hbm>> -> memref<128x256xf32, #tpu.memory_space<hbm>>
      tpu.enqueue_dma source(%arg11 : memref<128x256xf32, #tpu.memory_space<vmem>>) target(%dma_start3A_60 : memref<128x256xf32, #tpu.memory_space<hbm>>) target_semaphore(%run_scoped3A : memref<!tpu.dma_semaphore, #tpu.memory_space<semaphore_mem>>)
      %dma_wait3A_61 = arith.constant 0 : i32
      %dma_wait3A_62 = tpu.memref_slice %arg7[%add3A_30, %dma_wait3A_61] : memref<16384x256xf32, #tpu.memory_space<hbm>> -> memref<128x256xf32, #tpu.memory_space<hbm>>
      %dma_wait3A_63 = arith.constant 0 : i32
      %dma_wait3A_64 = tpu.memref_slice %arg7[%add3A_30, %dma_wait3A_63] : memref<16384x256xf32, #tpu.memory_space<hbm>> -> memref<128x256xf32, #tpu.memory_space<hbm>>
      tpu.wait_dma2 semaphore(%run_scoped3A : memref<!tpu.dma_semaphore, #tpu.memory_space<semaphore_mem>>) src(%arg11 : memref<128x256xf32, #tpu.memory_space<vmem>>) dst(%dma_wait3A_64 : memref<128x256xf32, #tpu.memory_space<hbm>>)
      tpu.yield
    }) : () -> ()
    %add3A_43 = arith.constant 384 : i32
    %add3A_44 = arith.addi %mul3A_2, %add3A_43 : i32
    "tpu.region"() ({
      %run_scoped3A = tpu.sem_alloc : memref<!tpu.dma_semaphore, #tpu.memory_space<semaphore_mem>>
      %dma_start3A_57 = tpu.memref_slice %arg2[%add3A_44] : memref<16384xi32, #tpu.memory_space<hbm>> -> memref<128xi32, #tpu.memory_space<hbm>>
      %dma_start3A_58 = tpu.memref_slice %arg2[%add3A_44] : memref<16384xi32, #tpu.memory_space<hbm>> -> memref<128xi32, #tpu.memory_space<hbm>>
      tpu.enqueue_dma source(%dma_start3A_58 : memref<128xi32, #tpu.memory_space<hbm>>) target(%arg8 : memref<128xi32, #tpu.memory_space<vmem>>) target_semaphore(%run_scoped3A : memref<!tpu.dma_semaphore, #tpu.memory_space<semaphore_mem>>)
      %dma_wait3A_59 = tpu.memref_slice %arg2[%add3A_44] : memref<16384xi32, #tpu.memory_space<hbm>> -> memref<128xi32, #tpu.memory_space<hbm>>
      %dma_wait3A_60 = tpu.memref_slice %arg2[%add3A_44] : memref<16384xi32, #tpu.memory_space<hbm>> -> memref<128xi32, #tpu.memory_space<hbm>>
      tpu.wait_dma2 semaphore(%run_scoped3A : memref<!tpu.dma_semaphore, #tpu.memory_space<semaphore_mem>>) src(%dma_wait3A_60 : memref<128xi32, #tpu.memory_space<hbm>>) dst(%arg8 : memref<128xi32, #tpu.memory_space<vmem>>)
      tpu.yield
    }) : () -> ()
    "tpu.region"() ({
      %run_scoped3A = tpu.sem_alloc : memref<!tpu.dma_semaphore, #tpu.memory_space<semaphore_mem>>
      %dma_start3A_57 = tpu.memref_slice %arg3[%add3A_44] : memref<16384xi32, #tpu.memory_space<hbm>> -> memref<128xi32, #tpu.memory_space<hbm>>
      %dma_start3A_58 = tpu.memref_slice %arg3[%add3A_44] : memref<16384xi32, #tpu.memory_space<hbm>> -> memref<128xi32, #tpu.memory_space<hbm>>
      tpu.enqueue_dma source(%dma_start3A_58 : memref<128xi32, #tpu.memory_space<hbm>>) target(%arg9 : memref<128xi32, #tpu.memory_space<vmem>>) target_semaphore(%run_scoped3A : memref<!tpu.dma_semaphore, #tpu.memory_space<semaphore_mem>>)
      %dma_wait3A_59 = tpu.memref_slice %arg3[%add3A_44] : memref<16384xi32, #tpu.memory_space<hbm>> -> memref<128xi32, #tpu.memory_space<hbm>>
      %dma_wait3A_60 = tpu.memref_slice %arg3[%add3A_44] : memref<16384xi32, #tpu.memory_space<hbm>> -> memref<128xi32, #tpu.memory_space<hbm>>
      tpu.wait_dma2 semaphore(%run_scoped3A : memref<!tpu.dma_semaphore, #tpu.memory_space<semaphore_mem>>) src(%dma_wait3A_60 : memref<128xi32, #tpu.memory_space<hbm>>) dst(%arg9 : memref<128xi32, #tpu.memory_space<vmem>>)
      tpu.yield
    }) : () -> ()
    %dma_start3A_45 = arith.constant 0 : i32
    %dma_start3A_46 = arith.constant 0 : i32
    %dma_start3A_47 = tpu.memref_slice %arg4[%dma_start3A_45, %dma_start3A_46] : memref<100000x256xf32, #tpu.memory_space<hbm>> -> memref<100000x256xf32, #tpu.memory_space<hbm>>
    tpu.enqueue_indirect_dma source(%dma_start3A_47 : memref<100000x256xf32, #tpu.memory_space<hbm>>) target(%arg10 : memref<128x256xf32, #tpu.memory_space<vmem>>) offsets(%arg8 : memref<128xi32, #tpu.memory_space<vmem>>) semaphore(%arg12 : memref<!tpu.dma_semaphore, #tpu.memory_space<semaphore_mem>>)
    %dma_start3A_48 = arith.constant 0 : i32
    %dma_start3A_49 = arith.constant 0 : i32
    %dma_start3A_50 = tpu.memref_slice %arg5[%dma_start3A_48, %dma_start3A_49] : memref<100000x256xf32, #tpu.memory_space<hbm>> -> memref<100000x256xf32, #tpu.memory_space<hbm>>
    tpu.enqueue_indirect_dma source(%dma_start3A_50 : memref<100000x256xf32, #tpu.memory_space<hbm>>) target(%arg11 : memref<128x256xf32, #tpu.memory_space<vmem>>) offsets(%arg9 : memref<128xi32, #tpu.memory_space<vmem>>) semaphore(%arg12 : memref<!tpu.dma_semaphore, #tpu.memory_space<semaphore_mem>>)
    %dma_wait3A_51 = arith.constant 0 : i32
    %dma_wait3A_52 = arith.constant 0 : i32
    %dma_wait3A_53 = tpu.memref_slice %arg4[%dma_wait3A_51, %dma_wait3A_52] : memref<100000x256xf32, #tpu.memory_space<hbm>> -> memref<100000x256xf32, #tpu.memory_space<hbm>>
    tpu.wait_indirect_dma semaphore(%arg12 : memref<!tpu.dma_semaphore, #tpu.memory_space<semaphore_mem>>) src(%dma_wait3A_53 : memref<100000x256xf32, #tpu.memory_space<hbm>>) dst(%arg10 : memref<128x256xf32, #tpu.memory_space<vmem>>)
    %dma_wait3A_54 = arith.constant 0 : i32
    %dma_wait3A_55 = arith.constant 0 : i32
    %dma_wait3A_56 = tpu.memref_slice %arg5[%dma_wait3A_54, %dma_wait3A_55] : memref<100000x256xf32, #tpu.memory_space<hbm>> -> memref<100000x256xf32, #tpu.memory_space<hbm>>
    tpu.wait_indirect_dma semaphore(%arg12 : memref<!tpu.dma_semaphore, #tpu.memory_space<semaphore_mem>>) src(%dma_wait3A_56 : memref<100000x256xf32, #tpu.memory_space<hbm>>) dst(%arg11 : memref<128x256xf32, #tpu.memory_space<vmem>>)
    "tpu.region"() ({
      %run_scoped3A = tpu.sem_alloc : memref<!tpu.dma_semaphore, #tpu.memory_space<semaphore_mem>>
      %dma_start3A_57 = arith.constant 0 : i32
      %dma_start3A_58 = tpu.memref_slice %arg6[%add3A_44, %dma_start3A_57] : memref<16384x256xf32, #tpu.memory_space<hbm>> -> memref<128x256xf32, #tpu.memory_space<hbm>>
      %dma_start3A_59 = arith.constant 0 : i32
      %dma_start3A_60 = tpu.memref_slice %arg6[%add3A_44, %dma_start3A_59] : memref<16384x256xf32, #tpu.memory_space<hbm>> -> memref<128x256xf32, #tpu.memory_space<hbm>>
      tpu.enqueue_dma source(%arg10 : memref<128x256xf32, #tpu.memory_space<vmem>>) target(%dma_start3A_60 : memref<128x256xf32, #tpu.memory_space<hbm>>) target_semaphore(%run_scoped3A : memref<!tpu.dma_semaphore, #tpu.memory_space<semaphore_mem>>)
      %dma_wait3A_61 = arith.constant 0 : i32
      %dma_wait3A_62 = tpu.memref_slice %arg6[%add3A_44, %dma_wait3A_61] : memref<16384x256xf32, #tpu.memory_space<hbm>> -> memref<128x256xf32, #tpu.memory_space<hbm>>
      %dma_wait3A_63 = arith.constant 0 : i32
      %dma_wait3A_64 = tpu.memref_slice %arg6[%add3A_44, %dma_wait3A_63] : memref<16384x256xf32, #tpu.memory_space<hbm>> -> memref<128x256xf32, #tpu.memory_space<hbm>>
      tpu.wait_dma2 semaphore(%run_scoped3A : memref<!tpu.dma_semaphore, #tpu.memory_space<semaphore_mem>>) src(%arg10 : memref<128x256xf32, #tpu.memory_space<vmem>>) dst(%dma_wait3A_64 : memref<128x256xf32, #tpu.memory_space<hbm>>)
      tpu.yield
    }) : () -> ()
    "tpu.region"() ({
      %run_scoped3A = tpu.sem_alloc : memref<!tpu.dma_semaphore, #tpu.memory_space<semaphore_mem>>
      %dma_start3A_57 = arith.constant 0 : i32
      %dma_start3A_58 = tpu.memref_slice %arg7[%add3A_44, %dma_start3A_57] : memref<16384x256xf32, #tpu.memory_space<hbm>> -> memref<128x256xf32, #tpu.memory_space<hbm>>
      %dma_start3A_59 = arith.constant 0 : i32
      %dma_start3A_60 = tpu.memref_slice %arg7[%add3A_44, %dma_start3A_59] : memref<16384x256xf32, #tpu.memory_space<hbm>> -> memref<128x256xf32, #tpu.memory_space<hbm>>
      tpu.enqueue_dma source(%arg11 : memref<128x256xf32, #tpu.memory_space<vmem>>) target(%dma_start3A_60 : memref<128x256xf32, #tpu.memory_space<hbm>>) target_semaphore(%run_scoped3A : memref<!tpu.dma_semaphore, #tpu.memory_space<semaphore_mem>>)
      %dma_wait3A_61 = arith.constant 0 : i32
      %dma_wait3A_62 = tpu.memref_slice %arg7[%add3A_44, %dma_wait3A_61] : memref<16384x256xf32, #tpu.memory_space<hbm>> -> memref<128x256xf32, #tpu.memory_space<hbm>>
      %dma_wait3A_63 = arith.constant 0 : i32
      %dma_wait3A_64 = tpu.memref_slice %arg7[%add3A_44, %dma_wait3A_63] : memref<16384x256xf32, #tpu.memory_space<hbm>> -> memref<128x256xf32, #tpu.memory_space<hbm>>
      tpu.wait_dma2 semaphore(%run_scoped3A : memref<!tpu.dma_semaphore, #tpu.memory_space<semaphore_mem>>) src(%arg11 : memref<128x256xf32, #tpu.memory_space<vmem>>) dst(%dma_wait3A_64 : memref<128x256xf32, #tpu.memory_space<hbm>>)
      tpu.yield
    }) : () -> ()
    return
  }
}

#map = affine_map<(d0, d1) -> (0)>
#map1 = affine_map<(d0, d1) -> (0, 0)>
module attributes {stable_mosaic.version = 14 : i64} {
  func.func @_sc_gather_gmf(%arg0: i32, %arg1: i32, %arg2: memref<16384xi32, #tpu.memory_space<hbm>>, %arg3: memref<16384xi32, #tpu.memory_space<hbm>>, %arg4: memref<100000x128xf32, #tpu.memory_space<hbm>>, %arg5: memref<16384x256xf32, #tpu.memory_space<hbm>>, %arg6: memref<256xi32, #tpu.memory_space<vmem>>, %arg7: memref<256xi32, #tpu.memory_space<vmem>>, %arg8: memref<256x128xf32, #tpu.memory_space<vmem>>, %arg9: memref<256x128xf32, #tpu.memory_space<vmem>>, %arg10: memref<!tpu.dma_semaphore, #tpu.memory_space<semaphore_mem>>) attributes {dimension_semantics = [#tpu.dimension_semantics<core_parallel>, #tpu.dimension_semantics<subcore_parallel>], iteration_bounds = array<i64: 2, 16>, scalar_prefetch = 0 : i64, scratch_operands = 5 : i64, tpu.core_type = #tpu.core_type<sc_vector_subcore>, window_params = [{transform_indices = #map}, {transform_indices = #map}, {transform_indices = #map1}, {transform_indices = #map1}]} {
    %mul3A = arith.constant 2 : i32
    %mul3A_0 = arith.muli %arg1, %mul3A : i32
    %add3A = arith.addi %mul3A_0, %arg0 : i32
    %mul3A_1 = arith.constant 512 : i32
    %mul3A_2 = arith.muli %add3A, %mul3A_1 : i32
    %add3A_3 = arith.constant 0 : i32
    %add3A_4 = arith.addi %mul3A_2, %add3A_3 : i32
    "tpu.region"() ({
      %run_scoped3A = tpu.sem_alloc : memref<!tpu.dma_semaphore, #tpu.memory_space<semaphore_mem>>
      %dma_start3A_29 = tpu.memref_slice %arg2[%add3A_4] : memref<16384xi32, #tpu.memory_space<hbm>> -> memref<256xi32, #tpu.memory_space<hbm>>
      %dma_start3A_30 = tpu.memref_slice %arg2[%add3A_4] : memref<16384xi32, #tpu.memory_space<hbm>> -> memref<256xi32, #tpu.memory_space<hbm>>
      tpu.enqueue_dma source(%dma_start3A_30 : memref<256xi32, #tpu.memory_space<hbm>>) target(%arg6 : memref<256xi32, #tpu.memory_space<vmem>>) target_semaphore(%run_scoped3A : memref<!tpu.dma_semaphore, #tpu.memory_space<semaphore_mem>>)
      %dma_wait3A_31 = tpu.memref_slice %arg2[%add3A_4] : memref<16384xi32, #tpu.memory_space<hbm>> -> memref<256xi32, #tpu.memory_space<hbm>>
      %dma_wait3A_32 = tpu.memref_slice %arg2[%add3A_4] : memref<16384xi32, #tpu.memory_space<hbm>> -> memref<256xi32, #tpu.memory_space<hbm>>
      tpu.wait_dma2 semaphore(%run_scoped3A : memref<!tpu.dma_semaphore, #tpu.memory_space<semaphore_mem>>) src(%dma_wait3A_32 : memref<256xi32, #tpu.memory_space<hbm>>) dst(%arg6 : memref<256xi32, #tpu.memory_space<vmem>>)
      tpu.yield
    }) : () -> ()
    "tpu.region"() ({
      %run_scoped3A = tpu.sem_alloc : memref<!tpu.dma_semaphore, #tpu.memory_space<semaphore_mem>>
      %dma_start3A_29 = tpu.memref_slice %arg3[%add3A_4] : memref<16384xi32, #tpu.memory_space<hbm>> -> memref<256xi32, #tpu.memory_space<hbm>>
      %dma_start3A_30 = tpu.memref_slice %arg3[%add3A_4] : memref<16384xi32, #tpu.memory_space<hbm>> -> memref<256xi32, #tpu.memory_space<hbm>>
      tpu.enqueue_dma source(%dma_start3A_30 : memref<256xi32, #tpu.memory_space<hbm>>) target(%arg7 : memref<256xi32, #tpu.memory_space<vmem>>) target_semaphore(%run_scoped3A : memref<!tpu.dma_semaphore, #tpu.memory_space<semaphore_mem>>)
      %dma_wait3A_31 = tpu.memref_slice %arg3[%add3A_4] : memref<16384xi32, #tpu.memory_space<hbm>> -> memref<256xi32, #tpu.memory_space<hbm>>
      %dma_wait3A_32 = tpu.memref_slice %arg3[%add3A_4] : memref<16384xi32, #tpu.memory_space<hbm>> -> memref<256xi32, #tpu.memory_space<hbm>>
      tpu.wait_dma2 semaphore(%run_scoped3A : memref<!tpu.dma_semaphore, #tpu.memory_space<semaphore_mem>>) src(%dma_wait3A_32 : memref<256xi32, #tpu.memory_space<hbm>>) dst(%arg7 : memref<256xi32, #tpu.memory_space<vmem>>)
      tpu.yield
    }) : () -> ()
    %dma_start3A = arith.constant 0 : i32
    %dma_start3A_5 = arith.constant 0 : i32
    %dma_start3A_6 = tpu.memref_slice %arg4[%dma_start3A, %dma_start3A_5] : memref<100000x128xf32, #tpu.memory_space<hbm>> -> memref<100000x128xf32, #tpu.memory_space<hbm>>
    tpu.enqueue_indirect_dma source(%dma_start3A_6 : memref<100000x128xf32, #tpu.memory_space<hbm>>) target(%arg8 : memref<256x128xf32, #tpu.memory_space<vmem>>) offsets(%arg6 : memref<256xi32, #tpu.memory_space<vmem>>) semaphore(%arg10 : memref<!tpu.dma_semaphore, #tpu.memory_space<semaphore_mem>>)
    %dma_start3A_7 = arith.constant 0 : i32
    %dma_start3A_8 = arith.constant 0 : i32
    %dma_start3A_9 = tpu.memref_slice %arg4[%dma_start3A_7, %dma_start3A_8] : memref<100000x128xf32, #tpu.memory_space<hbm>> -> memref<100000x128xf32, #tpu.memory_space<hbm>>
    tpu.enqueue_indirect_dma source(%dma_start3A_9 : memref<100000x128xf32, #tpu.memory_space<hbm>>) target(%arg9 : memref<256x128xf32, #tpu.memory_space<vmem>>) offsets(%arg7 : memref<256xi32, #tpu.memory_space<vmem>>) semaphore(%arg10 : memref<!tpu.dma_semaphore, #tpu.memory_space<semaphore_mem>>)
    %dma_wait3A = arith.constant 0 : i32
    %dma_wait3A_10 = arith.constant 0 : i32
    %dma_wait3A_11 = tpu.memref_slice %arg4[%dma_wait3A, %dma_wait3A_10] : memref<100000x128xf32, #tpu.memory_space<hbm>> -> memref<100000x128xf32, #tpu.memory_space<hbm>>
    tpu.wait_indirect_dma semaphore(%arg10 : memref<!tpu.dma_semaphore, #tpu.memory_space<semaphore_mem>>) src(%dma_wait3A_11 : memref<100000x128xf32, #tpu.memory_space<hbm>>) dst(%arg8 : memref<256x128xf32, #tpu.memory_space<vmem>>)
    %dma_wait3A_12 = arith.constant 0 : i32
    %dma_wait3A_13 = arith.constant 0 : i32
    %dma_wait3A_14 = tpu.memref_slice %arg4[%dma_wait3A_12, %dma_wait3A_13] : memref<100000x128xf32, #tpu.memory_space<hbm>> -> memref<100000x128xf32, #tpu.memory_space<hbm>>
    tpu.wait_indirect_dma semaphore(%arg10 : memref<!tpu.dma_semaphore, #tpu.memory_space<semaphore_mem>>) src(%dma_wait3A_14 : memref<100000x128xf32, #tpu.memory_space<hbm>>) dst(%arg9 : memref<256x128xf32, #tpu.memory_space<vmem>>)
    "tpu.region"() ({
      %run_scoped3A = tpu.sem_alloc : memref<!tpu.dma_semaphore, #tpu.memory_space<semaphore_mem>>
      %dma_start3A_29 = arith.constant 0 : i32
      %dma_start3A_30 = tpu.memref_slice %arg5[%add3A_4, %dma_start3A_29] : memref<16384x256xf32, #tpu.memory_space<hbm>> -> memref<256x128xf32, #tpu.memory_space<hbm>>
      %dma_start3A_31 = arith.constant 0 : i32
      %dma_start3A_32 = tpu.memref_slice %arg5[%add3A_4, %dma_start3A_31] : memref<16384x256xf32, #tpu.memory_space<hbm>> -> memref<256x128xf32, #tpu.memory_space<hbm>>
      tpu.enqueue_dma source(%arg8 : memref<256x128xf32, #tpu.memory_space<vmem>>) target(%dma_start3A_32 : memref<256x128xf32, #tpu.memory_space<hbm>>) target_semaphore(%run_scoped3A : memref<!tpu.dma_semaphore, #tpu.memory_space<semaphore_mem>>)
      %dma_wait3A_33 = arith.constant 0 : i32
      %dma_wait3A_34 = tpu.memref_slice %arg5[%add3A_4, %dma_wait3A_33] : memref<16384x256xf32, #tpu.memory_space<hbm>> -> memref<256x128xf32, #tpu.memory_space<hbm>>
      %dma_wait3A_35 = arith.constant 0 : i32
      %dma_wait3A_36 = tpu.memref_slice %arg5[%add3A_4, %dma_wait3A_35] : memref<16384x256xf32, #tpu.memory_space<hbm>> -> memref<256x128xf32, #tpu.memory_space<hbm>>
      tpu.wait_dma2 semaphore(%run_scoped3A : memref<!tpu.dma_semaphore, #tpu.memory_space<semaphore_mem>>) src(%arg8 : memref<256x128xf32, #tpu.memory_space<vmem>>) dst(%dma_wait3A_36 : memref<256x128xf32, #tpu.memory_space<hbm>>)
      tpu.yield
    }) : () -> ()
    "tpu.region"() ({
      %run_scoped3A = tpu.sem_alloc : memref<!tpu.dma_semaphore, #tpu.memory_space<semaphore_mem>>
      %dma_start3A_29 = arith.constant 128 : i32
      %dma_start3A_30 = tpu.memref_slice %arg5[%add3A_4, %dma_start3A_29] : memref<16384x256xf32, #tpu.memory_space<hbm>> -> memref<256x128xf32, #tpu.memory_space<hbm>>
      %dma_start3A_31 = arith.constant 128 : i32
      %dma_start3A_32 = tpu.memref_slice %arg5[%add3A_4, %dma_start3A_31] : memref<16384x256xf32, #tpu.memory_space<hbm>> -> memref<256x128xf32, #tpu.memory_space<hbm>>
      tpu.enqueue_dma source(%arg9 : memref<256x128xf32, #tpu.memory_space<vmem>>) target(%dma_start3A_32 : memref<256x128xf32, #tpu.memory_space<hbm>>) target_semaphore(%run_scoped3A : memref<!tpu.dma_semaphore, #tpu.memory_space<semaphore_mem>>)
      %dma_wait3A_33 = arith.constant 128 : i32
      %dma_wait3A_34 = tpu.memref_slice %arg5[%add3A_4, %dma_wait3A_33] : memref<16384x256xf32, #tpu.memory_space<hbm>> -> memref<256x128xf32, #tpu.memory_space<hbm>>
      %dma_wait3A_35 = arith.constant 128 : i32
      %dma_wait3A_36 = tpu.memref_slice %arg5[%add3A_4, %dma_wait3A_35] : memref<16384x256xf32, #tpu.memory_space<hbm>> -> memref<256x128xf32, #tpu.memory_space<hbm>>
      tpu.wait_dma2 semaphore(%run_scoped3A : memref<!tpu.dma_semaphore, #tpu.memory_space<semaphore_mem>>) src(%arg9 : memref<256x128xf32, #tpu.memory_space<vmem>>) dst(%dma_wait3A_36 : memref<256x128xf32, #tpu.memory_space<hbm>>)
      tpu.yield
    }) : () -> ()
    %add3A_15 = arith.constant 256 : i32
    %add3A_16 = arith.addi %mul3A_2, %add3A_15 : i32
    "tpu.region"() ({
      %run_scoped3A = tpu.sem_alloc : memref<!tpu.dma_semaphore, #tpu.memory_space<semaphore_mem>>
      %dma_start3A_29 = tpu.memref_slice %arg2[%add3A_16] : memref<16384xi32, #tpu.memory_space<hbm>> -> memref<256xi32, #tpu.memory_space<hbm>>
      %dma_start3A_30 = tpu.memref_slice %arg2[%add3A_16] : memref<16384xi32, #tpu.memory_space<hbm>> -> memref<256xi32, #tpu.memory_space<hbm>>
      tpu.enqueue_dma source(%dma_start3A_30 : memref<256xi32, #tpu.memory_space<hbm>>) target(%arg6 : memref<256xi32, #tpu.memory_space<vmem>>) target_semaphore(%run_scoped3A : memref<!tpu.dma_semaphore, #tpu.memory_space<semaphore_mem>>)
      %dma_wait3A_31 = tpu.memref_slice %arg2[%add3A_16] : memref<16384xi32, #tpu.memory_space<hbm>> -> memref<256xi32, #tpu.memory_space<hbm>>
      %dma_wait3A_32 = tpu.memref_slice %arg2[%add3A_16] : memref<16384xi32, #tpu.memory_space<hbm>> -> memref<256xi32, #tpu.memory_space<hbm>>
      tpu.wait_dma2 semaphore(%run_scoped3A : memref<!tpu.dma_semaphore, #tpu.memory_space<semaphore_mem>>) src(%dma_wait3A_32 : memref<256xi32, #tpu.memory_space<hbm>>) dst(%arg6 : memref<256xi32, #tpu.memory_space<vmem>>)
      tpu.yield
    }) : () -> ()
    "tpu.region"() ({
      %run_scoped3A = tpu.sem_alloc : memref<!tpu.dma_semaphore, #tpu.memory_space<semaphore_mem>>
      %dma_start3A_29 = tpu.memref_slice %arg3[%add3A_16] : memref<16384xi32, #tpu.memory_space<hbm>> -> memref<256xi32, #tpu.memory_space<hbm>>
      %dma_start3A_30 = tpu.memref_slice %arg3[%add3A_16] : memref<16384xi32, #tpu.memory_space<hbm>> -> memref<256xi32, #tpu.memory_space<hbm>>
      tpu.enqueue_dma source(%dma_start3A_30 : memref<256xi32, #tpu.memory_space<hbm>>) target(%arg7 : memref<256xi32, #tpu.memory_space<vmem>>) target_semaphore(%run_scoped3A : memref<!tpu.dma_semaphore, #tpu.memory_space<semaphore_mem>>)
      %dma_wait3A_31 = tpu.memref_slice %arg3[%add3A_16] : memref<16384xi32, #tpu.memory_space<hbm>> -> memref<256xi32, #tpu.memory_space<hbm>>
      %dma_wait3A_32 = tpu.memref_slice %arg3[%add3A_16] : memref<16384xi32, #tpu.memory_space<hbm>> -> memref<256xi32, #tpu.memory_space<hbm>>
      tpu.wait_dma2 semaphore(%run_scoped3A : memref<!tpu.dma_semaphore, #tpu.memory_space<semaphore_mem>>) src(%dma_wait3A_32 : memref<256xi32, #tpu.memory_space<hbm>>) dst(%arg7 : memref<256xi32, #tpu.memory_space<vmem>>)
      tpu.yield
    }) : () -> ()
    %dma_start3A_17 = arith.constant 0 : i32
    %dma_start3A_18 = arith.constant 0 : i32
    %dma_start3A_19 = tpu.memref_slice %arg4[%dma_start3A_17, %dma_start3A_18] : memref<100000x128xf32, #tpu.memory_space<hbm>> -> memref<100000x128xf32, #tpu.memory_space<hbm>>
    tpu.enqueue_indirect_dma source(%dma_start3A_19 : memref<100000x128xf32, #tpu.memory_space<hbm>>) target(%arg8 : memref<256x128xf32, #tpu.memory_space<vmem>>) offsets(%arg6 : memref<256xi32, #tpu.memory_space<vmem>>) semaphore(%arg10 : memref<!tpu.dma_semaphore, #tpu.memory_space<semaphore_mem>>)
    %dma_start3A_20 = arith.constant 0 : i32
    %dma_start3A_21 = arith.constant 0 : i32
    %dma_start3A_22 = tpu.memref_slice %arg4[%dma_start3A_20, %dma_start3A_21] : memref<100000x128xf32, #tpu.memory_space<hbm>> -> memref<100000x128xf32, #tpu.memory_space<hbm>>
    tpu.enqueue_indirect_dma source(%dma_start3A_22 : memref<100000x128xf32, #tpu.memory_space<hbm>>) target(%arg9 : memref<256x128xf32, #tpu.memory_space<vmem>>) offsets(%arg7 : memref<256xi32, #tpu.memory_space<vmem>>) semaphore(%arg10 : memref<!tpu.dma_semaphore, #tpu.memory_space<semaphore_mem>>)
    %dma_wait3A_23 = arith.constant 0 : i32
    %dma_wait3A_24 = arith.constant 0 : i32
    %dma_wait3A_25 = tpu.memref_slice %arg4[%dma_wait3A_23, %dma_wait3A_24] : memref<100000x128xf32, #tpu.memory_space<hbm>> -> memref<100000x128xf32, #tpu.memory_space<hbm>>
    tpu.wait_indirect_dma semaphore(%arg10 : memref<!tpu.dma_semaphore, #tpu.memory_space<semaphore_mem>>) src(%dma_wait3A_25 : memref<100000x128xf32, #tpu.memory_space<hbm>>) dst(%arg8 : memref<256x128xf32, #tpu.memory_space<vmem>>)
    %dma_wait3A_26 = arith.constant 0 : i32
    %dma_wait3A_27 = arith.constant 0 : i32
    %dma_wait3A_28 = tpu.memref_slice %arg4[%dma_wait3A_26, %dma_wait3A_27] : memref<100000x128xf32, #tpu.memory_space<hbm>> -> memref<100000x128xf32, #tpu.memory_space<hbm>>
    tpu.wait_indirect_dma semaphore(%arg10 : memref<!tpu.dma_semaphore, #tpu.memory_space<semaphore_mem>>) src(%dma_wait3A_28 : memref<100000x128xf32, #tpu.memory_space<hbm>>) dst(%arg9 : memref<256x128xf32, #tpu.memory_space<vmem>>)
    "tpu.region"() ({
      %run_scoped3A = tpu.sem_alloc : memref<!tpu.dma_semaphore, #tpu.memory_space<semaphore_mem>>
      %dma_start3A_29 = arith.constant 0 : i32
      %dma_start3A_30 = tpu.memref_slice %arg5[%add3A_16, %dma_start3A_29] : memref<16384x256xf32, #tpu.memory_space<hbm>> -> memref<256x128xf32, #tpu.memory_space<hbm>>
      %dma_start3A_31 = arith.constant 0 : i32
      %dma_start3A_32 = tpu.memref_slice %arg5[%add3A_16, %dma_start3A_31] : memref<16384x256xf32, #tpu.memory_space<hbm>> -> memref<256x128xf32, #tpu.memory_space<hbm>>
      tpu.enqueue_dma source(%arg8 : memref<256x128xf32, #tpu.memory_space<vmem>>) target(%dma_start3A_32 : memref<256x128xf32, #tpu.memory_space<hbm>>) target_semaphore(%run_scoped3A : memref<!tpu.dma_semaphore, #tpu.memory_space<semaphore_mem>>)
      %dma_wait3A_33 = arith.constant 0 : i32
      %dma_wait3A_34 = tpu.memref_slice %arg5[%add3A_16, %dma_wait3A_33] : memref<16384x256xf32, #tpu.memory_space<hbm>> -> memref<256x128xf32, #tpu.memory_space<hbm>>
      %dma_wait3A_35 = arith.constant 0 : i32
      %dma_wait3A_36 = tpu.memref_slice %arg5[%add3A_16, %dma_wait3A_35] : memref<16384x256xf32, #tpu.memory_space<hbm>> -> memref<256x128xf32, #tpu.memory_space<hbm>>
      tpu.wait_dma2 semaphore(%run_scoped3A : memref<!tpu.dma_semaphore, #tpu.memory_space<semaphore_mem>>) src(%arg8 : memref<256x128xf32, #tpu.memory_space<vmem>>) dst(%dma_wait3A_36 : memref<256x128xf32, #tpu.memory_space<hbm>>)
      tpu.yield
    }) : () -> ()
    "tpu.region"() ({
      %run_scoped3A = tpu.sem_alloc : memref<!tpu.dma_semaphore, #tpu.memory_space<semaphore_mem>>
      %dma_start3A_29 = arith.constant 128 : i32
      %dma_start3A_30 = tpu.memref_slice %arg5[%add3A_16, %dma_start3A_29] : memref<16384x256xf32, #tpu.memory_space<hbm>> -> memref<256x128xf32, #tpu.memory_space<hbm>>
      %dma_start3A_31 = arith.constant 128 : i32
      %dma_start3A_32 = tpu.memref_slice %arg5[%add3A_16, %dma_start3A_31] : memref<16384x256xf32, #tpu.memory_space<hbm>> -> memref<256x128xf32, #tpu.memory_space<hbm>>
      tpu.enqueue_dma source(%arg9 : memref<256x128xf32, #tpu.memory_space<vmem>>) target(%dma_start3A_32 : memref<256x128xf32, #tpu.memory_space<hbm>>) target_semaphore(%run_scoped3A : memref<!tpu.dma_semaphore, #tpu.memory_space<semaphore_mem>>)
      %dma_wait3A_33 = arith.constant 128 : i32
      %dma_wait3A_34 = tpu.memref_slice %arg5[%add3A_16, %dma_wait3A_33] : memref<16384x256xf32, #tpu.memory_space<hbm>> -> memref<256x128xf32, #tpu.memory_space<hbm>>
      %dma_wait3A_35 = arith.constant 128 : i32
      %dma_wait3A_36 = tpu.memref_slice %arg5[%add3A_16, %dma_wait3A_35] : memref<16384x256xf32, #tpu.memory_space<hbm>> -> memref<256x128xf32, #tpu.memory_space<hbm>>
      tpu.wait_dma2 semaphore(%run_scoped3A : memref<!tpu.dma_semaphore, #tpu.memory_space<semaphore_mem>>) src(%arg9 : memref<256x128xf32, #tpu.memory_space<vmem>>) dst(%dma_wait3A_36 : memref<256x128xf32, #tpu.memory_space<hbm>>)
      tpu.yield
    }) : () -> ()
    return
  }
}

module attributes {stable_mosaic.version = 14 : i64} {
  func.func @_mlp_body(%arg0: i32, %arg1: memref<2048x256xf32, #tpu.memory_space<vmem>>, %arg2: memref<2048x256xf32, #tpu.memory_space<vmem>>, %arg3: memref<2048x256xf32, #tpu.memory_space<vmem>>, %arg4: memref<256x256xf32, #tpu.memory_space<vmem>>, %arg5: memref<256x256xf32, #tpu.memory_space<vmem>>, %arg6: memref<1x256xf32, #tpu.memory_space<vmem>>, %arg7: memref<256x128xf32, #tpu.memory_space<vmem>>, %arg8: memref<1x128xf32, #tpu.memory_space<vmem>>, %arg9: memref<128x64xf32, #tpu.memory_space<vmem>>, %arg10: memref<1x64xf32, #tpu.memory_space<vmem>>, %arg11: memref<1x64xf32, #tpu.memory_space<vmem>>, %arg12: memref<1x64xf32, #tpu.memory_space<vmem>>, %arg13: memref<1x1xf32, #tpu.memory_space<vmem>>, %arg14: memref<2048x1xf32, #tpu.memory_space<vmem>>) attributes {dimension_semantics = [#tpu.dimension_semantics<arbitrary>], iteration_bounds = array<i64: 8>, scalar_prefetch = 0 : i64, scratch_operands = 0 : i64, tpu.core_type = #tpu.core_type<tc>, window_params = [{transform_indices = @transform_0, window_bounds = array<i64: 2048, 256>}, {transform_indices = @transform_1, window_bounds = array<i64: 2048, 256>}, {transform_indices = @transform_2, window_bounds = array<i64: 2048, 256>}, {pipeline_mode = #tpu.pipeline_mode<synchronous>, transform_indices = @transform_3, window_bounds = array<i64: 256, 256>}, {pipeline_mode = #tpu.pipeline_mode<synchronous>, transform_indices = @transform_4, window_bounds = array<i64: 256, 256>}, {pipeline_mode = #tpu.pipeline_mode<synchronous>, transform_indices = @transform_5, window_bounds = array<i64: 1, 256>}, {pipeline_mode = #tpu.pipeline_mode<synchronous>, transform_indices = @transform_6, window_bounds = array<i64: 256, 128>}, {pipeline_mode = #tpu.pipeline_mode<synchronous>, transform_indices = @transform_7, window_bounds = array<i64: 1, 128>}, {pipeline_mode = #tpu.pipeline_mode<synchronous>, transform_indices = @transform_8, window_bounds = array<i64: 128, 64>}, {pipeline_mode = #tpu.pipeline_mode<synchronous>, transform_indices = @transform_9, window_bounds = array<i64: 1, 64>}, {pipeline_mode = #tpu.pipeline_mode<synchronous>, transform_indices = @transform_10, window_bounds = array<i64: 1, 64>}, {pipeline_mode = #tpu.pipeline_mode<synchronous>, transform_indices = @transform_11, window_bounds = array<i64: 1, 64>}, {pipeline_mode = #tpu.pipeline_mode<synchronous>, transform_indices = @transform_12, window_bounds = array<i64: 1, 1>}, {transform_indices = @transform_13, window_bounds = array<i64: 2048, 1>}]} {
    %get3A = arith.constant 0 : index
    %get3A_0 = arith.constant 0 : index
    %get3A_1 = vector.load %arg2[%get3A, %get3A_0] : memref<2048x256xf32, #tpu.memory_space<vmem>>, vector<2048x256xf32>
    %get3A_2 = arith.constant 0 : index
    %get3A_3 = arith.constant 0 : index
    %get3A_4 = vector.load %arg4[%get3A_2, %get3A_3] : memref<256x256xf32, #tpu.memory_space<vmem>>, vector<256x256xf32>
    %dot_general3A = arith.constant dense<0.000000e+00> : vector<2048x256xf32>
    %dot_general3A_5 = tpu.matmul %get3A_1, %get3A_4, %dot_general3A {dimension_numbers = #tpu.dot_dimension_numbers<[1], [0], [0], [1], [0, 0, 1, 1], [], []>, transpose_lhs_hint = false} : vector<2048x256xf32>, vector<256x256xf32>, vector<2048x256xf32> -> vector<2048x256xf32>
    %get3A_6 = arith.constant 0 : index
    %get3A_7 = arith.constant 0 : index
    %get3A_8 = vector.load %arg3[%get3A_6, %get3A_7] : memref<2048x256xf32, #tpu.memory_space<vmem>>, vector<2048x256xf32>
    %get3A_9 = arith.constant 0 : index
    %get3A_10 = arith.constant 0 : index
    %get3A_11 = vector.load %arg5[%get3A_9, %get3A_10] : memref<256x256xf32, #tpu.memory_space<vmem>>, vector<256x256xf32>
    %dot_general3A_12 = arith.constant dense<0.000000e+00> : vector<2048x256xf32>
    %dot_general3A_13 = tpu.matmul %get3A_8, %get3A_11, %dot_general3A_12 {dimension_numbers = #tpu.dot_dimension_numbers<[1], [0], [0], [1], [0, 0, 1, 1], [], []>, transpose_lhs_hint = false} : vector<2048x256xf32>, vector<256x256xf32>, vector<2048x256xf32> -> vector<2048x256xf32>
    %add3A = arith.addf %dot_general3A_5, %dot_general3A_13 : vector<2048x256xf32>
    %get3A_14 = arith.constant 0 : index
    %get3A_15 = arith.constant 0 : index
    %get3A_16 = vector.load %arg6[%get3A_14, %get3A_15] : memref<1x256xf32, #tpu.memory_space<vmem>>, vector<1x256xf32>
    %add3A_17 = vector.broadcast %get3A_16 : vector<1x256xf32> to vector<2048x256xf32>
    %add3A_18 = arith.addf %add3A, %add3A_17 : vector<2048x256xf32>
    %max3A = arith.constant 0.000000e+00 : f32
    %max3A_19 = vector.broadcast %max3A : f32 to vector<2048x256xf32>
    %max3A_20 = arith.maximumf %add3A_18, %max3A_19 : vector<2048x256xf32>
    %get3A_21 = arith.constant 0 : index
    %get3A_22 = arith.constant 0 : index
    %get3A_23 = vector.load %arg7[%get3A_21, %get3A_22] : memref<256x128xf32, #tpu.memory_space<vmem>>, vector<256x128xf32>
    %dot_general3A_24 = arith.constant dense<0.000000e+00> : vector<2048x128xf32>
    %dot_general3A_25 = tpu.matmul %max3A_20, %get3A_23, %dot_general3A_24 {dimension_numbers = #tpu.dot_dimension_numbers<[1], [0], [0], [1], [0, 0, 1, 1], [], []>, transpose_lhs_hint = false} : vector<2048x256xf32>, vector<256x128xf32>, vector<2048x128xf32> -> vector<2048x128xf32>
    %get3A_26 = arith.constant 0 : index
    %get3A_27 = arith.constant 0 : index
    %get3A_28 = vector.load %arg8[%get3A_26, %get3A_27] : memref<1x128xf32, #tpu.memory_space<vmem>>, vector<1x128xf32>
    %add3A_29 = vector.broadcast %get3A_28 : vector<1x128xf32> to vector<2048x128xf32>
    %add3A_30 = arith.addf %dot_general3A_25, %add3A_29 : vector<2048x128xf32>
    %max3A_31 = arith.constant 0.000000e+00 : f32
    %max3A_32 = vector.broadcast %max3A_31 : f32 to vector<2048x128xf32>
    %max3A_33 = arith.maximumf %add3A_30, %max3A_32 : vector<2048x128xf32>
    %get3A_34 = arith.constant 0 : index
    %get3A_35 = arith.constant 0 : index
    %get3A_36 = vector.load %arg9[%get3A_34, %get3A_35] : memref<128x64xf32, #tpu.memory_space<vmem>>, vector<128x64xf32>
    %dot_general3A_37 = arith.constant dense<0.000000e+00> : vector<2048x64xf32>
    %dot_general3A_38 = tpu.matmul %max3A_33, %get3A_36, %dot_general3A_37 {dimension_numbers = #tpu.dot_dimension_numbers<[1], [0], [0], [1], [0, 0, 1, 1], [], []>, transpose_lhs_hint = false} : vector<2048x128xf32>, vector<128x64xf32>, vector<2048x64xf32> -> vector<2048x64xf32>
    %get3A_39 = arith.constant 0 : index
    %get3A_40 = arith.constant 0 : index
    %get3A_41 = vector.load %arg10[%get3A_39, %get3A_40] : memref<1x64xf32, #tpu.memory_space<vmem>>, vector<1x64xf32>
    %add3A_42 = vector.broadcast %get3A_41 : vector<1x64xf32> to vector<2048x64xf32>
    %add3A_43 = arith.addf %dot_general3A_38, %add3A_42 : vector<2048x64xf32>
    %max3A_44 = arith.constant 0.000000e+00 : f32
    %max3A_45 = vector.broadcast %max3A_44 : f32 to vector<2048x64xf32>
    %max3A_46 = arith.maximumf %add3A_43, %max3A_45 : vector<2048x64xf32>
    %get3A_47 = arith.constant 0 : index
    %get3A_48 = arith.constant 0 : index
    %get3A_49 = vector.load %arg1[%get3A_47, %get3A_48] : memref<2048x256xf32, #tpu.memory_space<vmem>>, vector<2048x256xf32>
    %slice3A = vector.extract_strided_slice %get3A_49 {offsets = [0, 0], sizes = [2048, 64], strides = [1, 1]} : vector<2048x256xf32> to vector<2048x64xf32>
    %get3A_50 = arith.constant 0 : index
    %get3A_51 = arith.constant 0 : index
    %get3A_52 = vector.load %arg1[%get3A_50, %get3A_51] : memref<2048x256xf32, #tpu.memory_space<vmem>>, vector<2048x256xf32>
    %slice3A_53 = vector.extract_strided_slice %get3A_52 {offsets = [0, 192], sizes = [2048, 64], strides = [1, 1]} : vector<2048x256xf32> to vector<2048x64xf32>
    %mul3A = arith.mulf %slice3A, %slice3A_53 : vector<2048x64xf32>
    %get3A_54 = arith.constant 0 : index
    %get3A_55 = arith.constant 0 : index
    %get3A_56 = vector.load %arg11[%get3A_54, %get3A_55] : memref<1x64xf32, #tpu.memory_space<vmem>>, vector<1x64xf32>
    %mul3A_57 = vector.broadcast %get3A_56 : vector<1x64xf32> to vector<2048x64xf32>
    %mul3A_58 = arith.mulf %mul3A, %mul3A_57 : vector<2048x64xf32>
    %reduce_sum3A = arith.constant dense<0.000000e+00> : vector<2048xf32>
    %reduce_sum3A_59 = vector.multi_reduction <add>, %mul3A_58, %reduce_sum3A [1] : vector<2048x64xf32> to vector<2048xf32>
    %broadcast_in_dim3A = vector.shape_cast %reduce_sum3A_59 : vector<2048xf32> to vector<2048x1xf32>
    %get3A_60 = arith.constant 0 : index
    %get3A_61 = arith.constant 0 : index
    %get3A_62 = vector.load %arg12[%get3A_60, %get3A_61] : memref<1x64xf32, #tpu.memory_space<vmem>>, vector<1x64xf32>
    %mul3A_63 = vector.broadcast %get3A_62 : vector<1x64xf32> to vector<2048x64xf32>
    %mul3A_64 = arith.mulf %max3A_46, %mul3A_63 : vector<2048x64xf32>
    %reduce_sum3A_65 = arith.constant dense<0.000000e+00> : vector<2048xf32>
    %reduce_sum3A_66 = vector.multi_reduction <add>, %mul3A_64, %reduce_sum3A_65 [1] : vector<2048x64xf32> to vector<2048xf32>
    %broadcast_in_dim3A_67 = vector.shape_cast %reduce_sum3A_66 : vector<2048xf32> to vector<2048x1xf32>
    %add3A_68 = arith.addf %broadcast_in_dim3A, %broadcast_in_dim3A_67 : vector<2048x1xf32>
    %get3A_69 = arith.constant 0 : index
    %get3A_70 = arith.constant 0 : index
    %get3A_71 = vector.load %arg13[%get3A_69, %get3A_70] : memref<1x1xf32, #tpu.memory_space<vmem>>, vector<1x1xf32>
    %add3A_72 = vector.broadcast %get3A_71 : vector<1x1xf32> to vector<2048x1xf32>
    %add3A_73 = arith.addf %add3A_68, %add3A_72 : vector<2048x1xf32>
    %swap3A = arith.constant 0 : index
    %swap3A_74 = arith.constant 0 : index
    %swap3A_75 = vector.load %arg14[%swap3A, %swap3A_74] : memref<2048x1xf32, #tpu.memory_space<vmem>>, vector<2048x1xf32>
    tpu.vector_store %arg14[%swap3A, %swap3A_74], %add3A_73 {strides = array<i32>} : memref<2048x1xf32, #tpu.memory_space<vmem>>, vector<2048x1xf32>,
    return
  }
  func.func @transform_0(%arg0: i32) -> (i32, i32) {
    %c0_i32 = arith.constant 0 : i32
    %c0_i32_0 = arith.constant 0 : i32
    return %arg0, %c0_i32 : i32, i32
  }
  func.func @transform_1(%arg0: i32) -> (i32, i32) {
    %c0_i32 = arith.constant 0 : i32
    %c0_i32_0 = arith.constant 0 : i32
    return %arg0, %c0_i32 : i32, i32
  }
  func.func @transform_2(%arg0: i32) -> (i32, i32) {
    %c0_i32 = arith.constant 0 : i32
    %c0_i32_0 = arith.constant 0 : i32
    return %arg0, %c0_i32 : i32, i32
  }
  func.func @transform_3(%arg0: i32) -> (i32, i32) {
    %c0_i32 = arith.constant 0 : i32
    %c0_i32_0 = arith.constant 0 : i32
    %c0_i32_1 = arith.constant 0 : i32
    return %c0_i32, %c0_i32_0 : i32, i32
  }
  func.func @transform_4(%arg0: i32) -> (i32, i32) {
    %c0_i32 = arith.constant 0 : i32
    %c0_i32_0 = arith.constant 0 : i32
    %c0_i32_1 = arith.constant 0 : i32
    return %c0_i32, %c0_i32_0 : i32, i32
  }
  func.func @transform_5(%arg0: i32) -> (i32, i32) {
    %c0_i32 = arith.constant 0 : i32
    %c0_i32_0 = arith.constant 0 : i32
    %c0_i32_1 = arith.constant 0 : i32
    return %c0_i32, %c0_i32_0 : i32, i32
  }
  func.func @transform_6(%arg0: i32) -> (i32, i32) {
    %c0_i32 = arith.constant 0 : i32
    %c0_i32_0 = arith.constant 0 : i32
    %c0_i32_1 = arith.constant 0 : i32
    return %c0_i32, %c0_i32_0 : i32, i32
  }
  func.func @transform_7(%arg0: i32) -> (i32, i32) {
    %c0_i32 = arith.constant 0 : i32
    %c0_i32_0 = arith.constant 0 : i32
    %c0_i32_1 = arith.constant 0 : i32
    return %c0_i32, %c0_i32_0 : i32, i32
  }
  func.func @transform_8(%arg0: i32) -> (i32, i32) {
    %c0_i32 = arith.constant 0 : i32
    %c0_i32_0 = arith.constant 0 : i32
    %c0_i32_1 = arith.constant 0 : i32
    return %c0_i32, %c0_i32_0 : i32, i32
  }
  func.func @transform_9(%arg0: i32) -> (i32, i32) {
    %c0_i32 = arith.constant 0 : i32
    %c0_i32_0 = arith.constant 0 : i32
    %c0_i32_1 = arith.constant 0 : i32
    return %c0_i32, %c0_i32_0 : i32, i32
  }
  func.func @transform_10(%arg0: i32) -> (i32, i32) {
    %c0_i32 = arith.constant 0 : i32
    %c0_i32_0 = arith.constant 0 : i32
    %c0_i32_1 = arith.constant 0 : i32
    return %c0_i32, %c0_i32_0 : i32, i32
  }
  func.func @transform_11(%arg0: i32) -> (i32, i32) {
    %c0_i32 = arith.constant 0 : i32
    %c0_i32_0 = arith.constant 0 : i32
    %c0_i32_1 = arith.constant 0 : i32
    return %c0_i32, %c0_i32_0 : i32, i32
  }
  func.func @transform_12(%arg0: i32) -> (i32, i32) {
    %c0_i32 = arith.constant 0 : i32
    %c0_i32_0 = arith.constant 0 : i32
    %c0_i32_1 = arith.constant 0 : i32
    return %c0_i32, %c0_i32_0 : i32, i32
  }
  func.func @transform_13(%arg0: i32) -> (i32, i32) {
    %c0_i32 = arith.constant 0 : i32
    %c0_i32_0 = arith.constant 0 : i32
    return %arg0, %c0_i32 : i32, i32
  }
}

</mosaic_0001>

<sc_bundles>
// kernel: kernel.5.cloned.1.call-start
scs
__scs_entry_jumppad:
0x0: {  	(pc) =	sbr.rel $0x88, $3  }
0x1: {  	(tag) =	ssettag $0x0;
	lr =	simm.s32 $0x1  }
0x2: {  	[smem:$0x3F92] =	sst lr;
	_ =	strace $0xD0000000  }
0x3: {  	_ = 	snop  }
0x4: {  	_ = 	snop  }
0x5: {  	_ = 	snop  }
0x6: {  	_ = 	snop  }
0x7: {  	_ = 	snop  }
__scs_overlays_trampoline_lowered:
0x8: {  	[smem:$0x3FA1] =	sst s0  }
0x9: {  	[smem:$0x3FA2] =	sst s1  }
0xa: {  	[smem:$0x3FA3] =	sst s2  }
0xb: {  	[smem:$0x3FA4] =	sst s3  }
0xc: {  	[smem:$0x3FA5] =	sst s4  }
0xd: {  	[smem:$0x3FA6] =	sst s5  }
0xe: {  	[smem:$0x3FA7] =	sst s6  }
0xf: {  	[smem:$0x3FA8] =	sst s7  }
0x10: {  	[smem:$0x3FA9] =	sst s8  }
0x11: {  	[smem:$0x3FAA] =	sst s9;
	s0 =	simm.s32 @!p0 $0x0  }
0x12: {  	s1 =	sld [smem:$0x3F90];
	s0 =	simm.s32 @p0 $0x1  }
0x13: {  	[smem:$0x3FAB] =	sst s0;
	s0 =	simm.s32 @!p1 $0x0  }
0x14: {  	s2 =	sld [smem:$0x3F8F];
	s0 =	simm.s32 @p1 $0x1  }
0x15: {  	[smem:$0x3FAC] =	sst s0;
	s0 =	simm.s32 @!p2 $0x0  }
0x16: {  	s3 =	sld [smem:$0x3FDB];
	s0 =	simm.s32 @p2 $0x1  }
0x17: {  	s4 =	simm.s32 $0x1BF5;
	[smem:$0x3FAE] =	sst s0  }
0x18: {  	s0 =	sld [smem:$0x3F91];
	_ =	swait.ge [sflag:s4], $0x0  }
0x19: {  	s7 =	sld [smem:$0x3F92]  }
0x1a: {  	s8 =	sadd.s32 $0xFFFFE003, lr  }
0x1b: {  	s9 =	sadd.s32 $0xFFFFFEF7, lr;
	s5 =	simm.s32 $0xFFFFFFFF;
	p2 =	slt.u32 s8, $0xFFFFF086  }
0x1c: {  	p1 =	slt.u32 s9, $0xF7A;
	s5 =	simm.s32 @!p2 $0x0  }
0x1d: {  	s5 =	simm.s32 @p1 $0x1;
	p0 =	seq.s32 s7, s2  }
0x1e: {  	s7 =	smul.u32 @!p0 $0xF7A, s2;
	p2 =	seq.s32 @!p0 s5, $0x0  }
0x1f: {  	s9 =	smul.u32 $0xF7A, s1;
	s8 =	simm.s32 @!p0 $0x1BF5;
	p2 =	por !p2, p0  }
0x20: {  	[sflag:s8] =	ssyncset.s32 @!p0 $0xFFFFF086;
	s6 =	sadd.s32 @!p0 s3, s7;
	s7 =	simm.s32 @!p0 $0x108  }
0x21: {  	s3 =	sadd.s32 s3, s9;
	s6 =	sadd.s32 @!p0 $0x88, s6;
	s7 =	simm.s32 @p2 $0x1082  }
0x22: {  	[simem:s7], [sflag:s8] =	dma.local @!p0 [hbm:s6], $0xF7A  }
0x23: {  	s9 =	sor.u32 $0xD0000000, s2;
	s6 =	simm.s32 $0x108;
	_ =	swait.ge @!p0 [sflag:s8], $0x0  }
0x24: {  	s3 =	sadd.s32 $0x88, s3;
	s6 =	simm.s32 @!p1 $0x1082;
	[sflag:s4] =	ssyncset.s32 $0xFFFFF086  }
0x25: {  	[simem:s6], [sflag:s4] =	dma.local [hbm:s3], $0xF7A  }
0x26: {  	[smem:$0x3F92] =	sst s1;
	(tag) =	ssettag s2;
	_ =	strace s9  }
0x27: {  	s1 =	sld [smem:$0x3FA2]  }
0x28: {  	s2 =	sld [smem:$0x3FA3]  }
0x29: {  	s4 =	sld [smem:$0x3FA5]  }
0x2a: {  	p0 =	seq.s32 s5, $0x0;
	s5 =	sld [smem:$0x3FA6]  }
0x2b: {  	s6 =	sld [smem:$0x3FA7]  }
0x2c: {  	s7 =	sld [smem:$0x3FA8]  }
0x2d: {  	s3 =	simm.s32 $0x108;
	s8 =	sld [smem:$0x3FA9]  }
0x2e: {  	s3 =	simm.s32 @!p0 $0x1082;
	s9 =	sld [smem:$0x3FAA]  }
0x2f: {  	lr =	sadd.s32 s0, s3;
	s0 =	sld [smem:$0x3FA1]  }
0x30: {  	s3 =	sld [smem:$0x3FA4]  }
0x31: {  	[smem:$0x3FAD] =	sst s10  }
0x32: {  	s10 =	sld [smem:$0x3FAB];
	_ =	sdelay $0x3  }
0x33: {  	p0 =	seq.s32 s10, $0x1;
	s10 =	sld [smem:$0x3FAD];
	_ =	sdelay $0x3  }
0x34: {  	[smem:$0x3FAD] =	sst s10  }
0x35: {  	s10 =	sld [smem:$0x3FAC];
	_ =	sdelay $0x3  }
0x36: {  	p1 =	seq.s32 s10, $0x1;
	s10 =	sld [smem:$0x3FAD];
	_ =	sdelay $0x3  }
0x37: {  	[smem:$0x3FAD] =	sst s10  }
0x38: {  	s10 =	sld [smem:$0x3FAE]  }
0x39: {  	_ = 	snop;
	(pc) =	sbr.ind lr, $3  }
0x3a: {  	_ = 	snop  }
0x3b: {  	_ = 	snop  }
0x3c: {  	p2 =	seq.s32 s10, $0x1;
	s10 =	sld [smem:$0x3FAD]  }
0x3d: {  	_ =	shalt  }
0x3e: {  	_ =	shalt  }
0x3f: {  	_ =	shalt  }
0x40: {  	_ =	shalt  }
0x41: {  	_ =	shalt  }
0x42: {  	_ =	shalt  }
0x43: {  	_ =	shalt  }
0x44: {  	_ =	shalt  }
0x45: {  	_ =	shalt  }
0x46: {  	_ =	shalt  }
0x47: {  	_ =	shalt  }
0x48: {  	_ =	shalt  }
0x49: {  	_ =	shalt  }
0x4a: {  	_ =	shalt  }
0x4b: {  	_ =	shalt  }
0x4c: {  	_ =	shalt  }
0x4d: {  	_ =	shalt  }
0x4e: {  	_ =	shalt  }
0x4f: {  	_ =	shalt  }
0x50: {  	_ =	shalt  }
0x51: {  	_ =	shalt  }
0x52: {  	_ =	shalt  }
0x53: {  	_ =	shalt  }
0x54: {  	_ =	shalt  }
0x55: {  	_ =	shalt  }
0x56: {  	_ =	shalt  }
0x57: {  	_ =	shalt  }
0x58: {  	_ =	shalt  }
0x59: {  	_ =	shalt  }
0x5a: {  	_ =	shalt  }
0x5b: {  	_ =	shalt  }
0x5c: {  	_ =	shalt  }
0x5d: {  	_ =	shalt  }
0x5e: {  	_ =	shalt  }
0x5f: {  	_ =	shalt  }
0x60: {  	_ =	shalt  }
0x61: {  	_ =	shalt  }
0x62: {  	_ =	shalt  }
0x63: {  	_ =	shalt  }
0x64: {  	_ =	shalt  }
0x65: {  	_ =	shalt  }
0x66: {  	_ =	shalt  }
0x67: {  	_ =	shalt  }
0x68: {  	_ =	shalt  }
0x69: {  	_ =	shalt  }
0x6a: {  	_ =	shalt  }
0x6b: {  	_ =	shalt  }
0x6c: {  	_ =	shalt  }
0x6d: {  	_ =	shalt  }
0x6e: {  	_ =	shalt  }
0x6f: {  	_ =	shalt  }
0x70: {  	_ =	shalt  }
0x71: {  	_ =	shalt  }
0x72: {  	_ =	shalt  }
0x73: {  	_ =	shalt  }
0x74: {  	_ =	shalt  }
0x75: {  	_ =	shalt  }
0x76: {  	_ =	shalt  }
0x77: {  	_ =	shalt  }
0x78: {  	_ =	shalt  }
0x79: {  	_ =	shalt  }
0x7a: {  	_ =	shalt  }
0x7b: {  	_ =	shalt  }
0x7c: {  	_ =	shalt  }
0x7d: {  	_ =	shalt  }
0x7e: {  	_ =	shalt  }
0x7f: {  	_ =	shalt  }
0x80: {  	_ =	shalt  }
0x81: {  	_ =	shalt  }
0x82: {  	_ =	shalt  }
0x83: {  	_ =	shalt  }
0x84: {  	_ =	shalt  }
0x85: {  	_ =	shalt  }
0x86: {  	_ =	shalt  }
0x87: {  	_ =	shalt  }
.Lfunc_end0:
.L_simem_size_0:
called_computation_lowered:
.L_overlay_start_0:
0x88: {  	s2 =	sld [smem:$0x3FD9]  }
0x89: {  	s3 =	sld [smem:$0x3FFE];
	_ =	sdelay $0x1  }
0x8a: {  	s1 =	srdreg.scid  }
0x8b: {  	s0 =	sand.u32 $0x1, s1  }
0x8c: {  	s17 =	sshll.u32 s0, $0xA;
	s2 =	sadd.s32 s3, s2  }
0x8d: {  	s2 =	sadd.s32 s2, s17  }
0x8e: {  	[smem:$0x3FB9] =	sst s2  }
0x8f: {  	_ = 	snop  }
0x90: {  	s2 =	sld [smem:$0x3FC9]  }
0x91: {  	s18 =	sld [smem:$0x3FC8]  }
0x92: {  	s4 =	sld [smem:$0x3FC4]  }
0x93: {  	s5 =	sld [smem:$0x3FC3];
	(tm) =	ssettm $0x1  }
0x94: {  	s6 =	sld [smem:$0x3FFB];
	_ =	sdelay $0x3  }
0x95: {  	_ =	strace s6  }
0x96: {  	s6 =	sld [smem:$0x3FFC];
	_ =	sdelay $0x3  }
0x97: {  	_ =	strace s6  }
0x98: {  	s6 =	sld [smem:$0x3FFD];
	_ =	sdelay $0x3  }
0x99: {  	_ =	strace s6  }
0x9a: {  	_ =	strace $0x8FFFFFFF  }
0x9b: {  	s19 =	sld [smem:$0x3FDB];
	_ =	sdelay $0x1  }
0x9c: {  	s7 =	simm.s32 $_scs_section_size  }
0x9d: {  	s8 =	simm.s32 $_size__tile_overlayer_lowered;
	s9 =	simm.s32 $_tile_overlayer_lowered  }
0x9e: {  	s22 =	simm.s32 $0x1BFF;
	s21 =	sshll.u32 s9, $0x1;
	s6 =	sadd.s32 s7, s19  }
0x9f: {  	s10 =	simm.s32 $0x0;
	s20 =	sshll.u32 s8, $0x1;
	s8 =	sadd.s32 s21, s6  }
0xa0: {  	[timem:s10], [sflag:s22] =	dma.local [hbm:s8], s20  }
0xa1: {  	_ =	swait.ge [sflag:s22], s20  }
0xa2: {  	s7 =	ssub.s32 $0x0, s20;
	[sflag:s22] =	ssyncset.done $0x0  }
0xa3: {  	[sflag:s22] =	ssyncadd.s32 s7;
	_ =	sdelay $0x1  }
0xa4: {  	s23 =	simm.s32 $0x1B8B  }
0xa5: {  	_ =	swait.ge [sflag:s23], $0x1  }
0xa6: {  	[sflag:s23] =	ssyncset.done $0x0  }
0xa7: {  	s25 =	simm.s32 $0x1B8E;
	s24 =	sld [smem:$0x3FFE];
	[sflag:s23] =	ssyncadd.s32 $0xFFFFFFFF  }
0xa8: {  	s26 =	simm.s32 $execute0_lowered;
	[smem:$0x3FD2] =	sst s25  }
0xa9: {  	s8 =	sshll.u32 s26, $0x1;
	_ =	strace $0x80000046;
	[dreg:$0x1] =	wrdreg $0xFFFFFFFF  }
0xaa: {  	s28 =	simm.s32 $_size_execute0_lowered;
	s6 =	sadd.s32 s6, s8;
	[dreg:$0x0] =	wrdreg $0x0  }
0xab: {  	s8 =	sshll.u32 s28, $0x1;
	[dreg:$0x2] =	wrdreg s6  }
0xac: {  	[dreg:$0x3] =	wrdreg s8  }
0xad: {  	[dreg:$0x4] =	wrdreg $0xC0  }
0xae: {  	_ =	task [dreg:s10], $0x5FFFF  }
0xaf: {  	[dreg:$0x1] =	wrdreg $0xFFFFFFFF  }
0xb0: {  	[dreg:$0x0] =	wrdreg $0x60  }
0xb1: {  	[dreg:$0x2] =	wrdreg s2  }
0xb2: {  	[dreg:$0x3] =	wrdreg s18  }
0xb3: {  	[dreg:$0x4] =	wrdreg s4  }
0xb4: {  	[dreg:$0x5] =	wrdreg s5  }
0xb5: {  	[dreg:$0x6] =	wrdreg s24  }
0xb6: {  	[dreg:$0x7] =	wrdreg $0x9  }
0xb7: {  	_ =	task.clear_ibuf [dreg:s10], $0x8FFFF;
	_ =	strace $0x90000046  }
0xb8: {  	s29 =	simm.s32 $0x9;
	_ =	strace $0x80000048  }
0xb9: {  	_ =	swait.ge [sflag:s29], $0x1  }
0xba: {  	[sflag:s29] =	ssyncadd.s32 $0xFFFFFFFF  }
0xbb: {  	_ =	strace $0x90000048  }
0xbc: {  	_ =	sfence  }
0xbd: {  	s30 =	sld [smem:$0x0];
	_ =	sdelay $0x2  }
0xbe: {  	s31 =	sshll.u32 s1, $0xD;
	s1 =	sshrl.u32 s1, $0x2  }
0xbf: {  	s3 =	sand.u32 $0x4000, s31;
	s1 =	sadd.s32 s1, s30  }
0xc0: {  	s0 =	sor.u32 s3, s0;
	s1 =	sshll.u32 s1, $0x11  }
0xc1: {  	s0 =	sor.u32 s1, s0  }
0xc2: {  	s0 =	sadd.s32 $0x8F2B, s0  }
0xc3: {  	[sflag:s0] =	ssyncadd.remote.s32 $0x1  }
0xc4: {  	_ =	sfence.sel $0xFFFF  }
0xc5: {  	[dreg:$0x0] =	wrdreg $0xFFFFFFFF;
	(pc) =	sbr.abs _section_cstart, $3  }
0xc6: {  	[dreg:$0x1] =	wrdreg $0xFFFFFFFF  }
0xc7: {  	_ =	task.clear_ibuf [dreg:s10], $0x2FFFF;
	_ =	strace $0x9FFFFFFF  }
0xc8: {  	(tm) =	ssettm $0x7FFFFFFF  }
0xc9: {  	_ =	shalt  }
tec
execute0_lowered:
.L_overlay_start_1:
0x0: {  	(tag) =	ssettag $0x1  }
0x1: {  	s0 =	rddreg [dreg:$0x0]  }
0x2: {  	s2 =	rddreg [dreg:$0x1];
	s4 =	srdreg.scid  }
0x3: {  	s1 =	rddreg [dreg:$0x2];
	s7 =	stileid.u32;
	s6 =	sand.u32 $0x1, s4  }
0x4: {  	s3 =	rddreg [dreg:$0x3];
	s7 =	sshll.u32 s7, $0xA;
	s8 =	sshll.u32 s6, $0x9  }
0x5: {  	s5 =	rddreg [dreg:$0x4];
	s4 =	simm.s32 $0x0;
	s7 =	sor.u32 s8, s7  }
0x6: {  	s9 =	sadd.s32 $0x2800, s5;
	[smem:$0x7FF] =	sst s4;
	s8 =	sshrl.u32 s7, $0x3  }
0x7: {  	s5 =	sadd.s32 $0x82800, s5;
	_ =	strace $0x80000047;
	s10 =	sadd.s32 s0, s8  }
0x8: {  	s25 =	sshll.u32 s7, $0x5;
	s8 =	sadd.s32 s2, s8;
	[dreg:$0x6] =	wrdreg s10  }
0x9: {  	s11 =	sor.u32 $0x80, s7;
	s26 =	sadd.s32 s9, s25;
	[dreg:$0x7] =	wrdreg s8  }
0xa: {  	s28 =	sadd.s32 s5, s25;
	s30 =	sshrl.u32 s11, $0x3;
	[dreg:$0x8] =	wrdreg s26  }
0xb: {  	[dreg:$0x9] =	wrdreg s28;
	s31 =	sadd.s32 s0, s30  }
0xc: {  	s13 =	sshll.u32 s11, $0x5;
	s12 =	sadd.s32 s2, s30;
	[dreg:$0xa] =	wrdreg s31  }
0xd: {  	s15 =	sor.u32 $0x100, s7;
	s14 =	sadd.s32 s9, s13;
	[dreg:$0xb] =	wrdreg s12  }
0xe: {  	s17 =	sshrl.u32 s15, $0x3;
	s16 =	sadd.s32 s5, s13;
	[dreg:$0xc] =	wrdreg s14  }
0xf: {  	s18 =	sadd.s32 s0, s17;
	[dreg:$0xd] =	wrdreg s16  }
0x10: {  	s20 =	sshll.u32 s15, $0x5;
	s19 =	sadd.s32 s2, s17;
	[dreg:$0xe] =	wrdreg s18  }
0x11: {  	s7 =	sor.u32 $0x180, s7;
	s21 =	sadd.s32 s9, s20;
	[dreg:$0xf] =	wrdreg s19  }
0x12: {  	s23 =	sshrl.u32 s7, $0x3;
	s22 =	sadd.s32 s5, s20;
	[dreg:$0x10] =	wrdreg s21  }
0x13: {  	s29 =	simm.s32 $0x100;
	s0 =	sadd.s32 s0, s23;
	[dreg:$0x11] =	wrdreg s22  }
0x14: {  	s25 =	sshll.u32 s7, $0x5;
	s24 =	sadd.s32 s2, s23;
	[dreg:$0x12] =	wrdreg s0  }
0x15: {  	s6 =	ssub.s32 $0x2, s6;
	s26 =	sadd.s32 s9, s25;
	[dreg:$0x13] =	wrdreg s24  }
0x16: {  	v2 =	vlaneseq.u32;
	s28 =	sshrl.u32 s6, $0x1;
	s30 =	sadd.s32 s5, s25;
	[dreg:$0x14] =	wrdreg s26  }
0x17: {  	vm0 =	vmmov $0xffff;
	v1 =	vshrl.u32 v2, $0x3;
	s15 =	simm.s32 $0x1;
	s31 =	ssub.s32 s6, s28;
	[dreg:$0x15] =	wrdreg s30  }
0x18: {  	v0 =	vand.u32 $0x7, v2;
	v2 =	vor.u32 $0x8, v2;
	v1 =	vmul.u32 $0x8, v1;
	s6 =	simm.s32 $0x2;
	s24 =	simm.s32 $0x8100;
	s5 =	smax.u32 s31, $0x1  }
.LBB2_1:
0x19: {  	s16 =	rddreg [dreg:$0x6]  }
0x1a: {  	[tilespmem:s4], [sflag:$0x2] =	stream.linear.gather [hbm4b:s16+s4], $0x80, $0x38;
	[tilespmem:$0x10100] =	vst v63  }
0x1b: {  	_ =	swait.ge [sflag:s6], $0x80  }
0x1c: {  	[sflag:s6] =	ssyncset.done $0x0  }
0x1d: {  	s0 =	simm.s32 $0x80;
	s28 =	rddreg [dreg:$0x7];
	[sflag:s6] =	ssyncadd.s32 $0xFFFFFF80  }
0x1e: {  	[tilespmem:s0], [sflag:$0x2] =	stream.linear.gather [hbm4b:s28+s4], $0x80, $0x38;
	[tilespmem:$0x10100] =	vst v63  }
0x1f: {  	_ =	swait.ge [sflag:s6], $0x80  }
0x20: {  	[sflag:s6] =	ssyncset.done $0x0  }
0x21: {  	[sflag:s6] =	ssyncadd.s32 $0xFFFFFF80  }
0x22: {  	v3 =	vld [tilespmem:$0x0];
	_ =	sdelay $0x4  }
0x23: {  	v4 =	vshll.u32 v3, $0x1  }
0x24: {  	v3 =	vand.u32 $0x7, v3;
	v4 =	vand.u32 $0xFFFFFFF0, v4  }
0x25: {  	v3 =	vor.u32 v3, v4  }
0x26: {  	v4 =	vperm.xlane v3, v0;
	_ =	sdelay $0x1  }
0x27: {  	v3 =	vperm.xlane v3, v2;
	v4 =	vadd.s32 v1, v4;
	_ =	sdelay $0x1  }
0x28: {  	v3 =	vadd.s32 v1, v3;
	_ =	sdelay $0x2  }
0x29: {  	[tilespmem:s29], [sflag:$0x1] =	stream.indirect_vreg.gather [hbm4b:s1+s4], $0x80, v4, vm0, $0xb8;
	[tilespmem:$0x10100] =	vst v63  }
0x2a: {  	s30 =	simm.s32 $0x900  }
0x2b: {  	[tilespmem:s30], [sflag:$0x1] =	stream.indirect_vreg.gather [hbm4b:s1+s4], $0x80, v3, vm0, $0xb8;
	[tilespmem:$0x10100] =	vst v63  }
0x2c: {  	v3 =	vld [tilespmem:$0x10];
	_ =	sdelay $0x4  }
0x2d: {  	v57 =	vshll.u32 v3, $0x1  }
0x2e: {  	v3 =	vand.u32 $0x7, v3;
	v4 =	vand.u32 $0xFFFFFFF0, v57  }
0x2f: {  	v3 =	vor.u32 v3, v4  }
0x30: {  	v4 =	vperm.xlane v3, v0;
	_ =	sdelay $0x1  }
0x31: {  	v3 =	vperm.xlane v3, v2;
	v4 =	vadd.s32 v1, v4;
	_ =	sdelay $0x1  }
0x32: {  	v3 =	vadd.s32 v1, v3;
	_ =	sdelay $0x1  }
0x33: {  	s31 =	simm.s32 $0x1100  }
0x34: {  	[tilespmem:s31], [sflag:$0x1] =	stream.indirect_vreg.gather [hbm4b:s1+s4], $0x80, v4, vm0, $0xb8;
	[tilespmem:$0x10100] =	vst v63  }
0x35: {  	s8 =	simm.s32 $0x1900  }
0x36: {  	[tilespmem:s8], [sflag:$0x1] =	stream.indirect_vreg.gather [hbm4b:s1+s4], $0x80, v3, vm0, $0xb8;
	[tilespmem:$0x10100] =	vst v63  }
0x37: {  	v3 =	vld [tilespmem:$0x20];
	_ =	sdelay $0x4  }
0x38: {  	v58 =	vshll.u32 v3, $0x1  }
0x39: {  	v3 =	vand.u32 $0x7, v3;
	v4 =	vand.u32 $0xFFFFFFF0, v58  }
0x3a: {  	v3 =	vor.u32 v3, v4  }
0x3b: {  	v4 =	vperm.xlane v3, v0;
	_ =	sdelay $0x1  }
0x3c: {  	v3 =	vperm.xlane v3, v2;
	v4 =	vadd.s32 v1, v4;
	_ =	sdelay $0x1  }
0x3d: {  	v3 =	vadd.s32 v1, v3;
	_ =	sdelay $0x1  }
0x3e: {  	s9 =	simm.s32 $0x2100  }
0x3f: {  	[tilespmem:s9], [sflag:$0x1] =	stream.indirect_vreg.gather [hbm4b:s1+s4], $0x80, v4, vm0, $0xb8;
	[tilespmem:$0x10100] =	vst v63  }
0x40: {  	s11 =	simm.s32 $0x2900  }
0x41: {  	[tilespmem:s11], [sflag:$0x1] =	stream.indirect_vreg.gather [hbm4b:s1+s4], $0x80, v3, vm0, $0xb8;
	[tilespmem:$0x10100] =	vst v63  }
0x42: {  	v3 =	vld [tilespmem:$0x30];
	_ =	sdelay $0x4  }
0x43: {  	v59 =	vshll.u32 v3, $0x1  }
0x44: {  	v3 =	vand.u32 $0x7, v3;
	v4 =	vand.u32 $0xFFFFFFF0, v59  }
0x45: {  	v3 =	vor.u32 v3, v4  }
0x46: {  	v4 =	vperm.xlane v3, v0;
	_ =	sdelay $0x1  }
0x47: {  	v3 =	vperm.xlane v3, v2;
	v4 =	vadd.s32 v1, v4;
	_ =	sdelay $0x1  }
0x48: {  	v3 =	vadd.s32 v1, v3;
	_ =	sdelay $0x1  }
0x49: {  	s12 =	simm.s32 $0x3100  }
0x4a: {  	[tilespmem:s12], [sflag:$0x1] =	stream.indirect_vreg.gather [hbm4b:s1+s4], $0x80, v4, vm0, $0xb8;
	[tilespmem:$0x10100] =	vst v63  }
0x4b: {  	s13 =	simm.s32 $0x3900  }
0x4c: {  	[tilespmem:s13], [sflag:$0x1] =	stream.indirect_vreg.gather [hbm4b:s1+s4], $0x80, v3, vm0, $0xb8;
	[tilespmem:$0x10100] =	vst v63  }
0x4d: {  	v3 =	vld [tilespmem:$0x40];
	_ =	sdelay $0x4  }
0x4e: {  	v60 =	vshll.u32 v3, $0x1  }
0x4f: {  	v3 =	vand.u32 $0x7, v3;
	v4 =	vand.u32 $0xFFFFFFF0, v60  }
0x50: {  	v3 =	vor.u32 v3, v4  }
0x51: {  	v4 =	vperm.xlane v3, v0;
	_ =	sdelay $0x1  }
0x52: {  	v3 =	vperm.xlane v3, v2;
	v4 =	vadd.s32 v1, v4;
	_ =	sdelay $0x1  }
0x53: {  	v3 =	vadd.s32 v1, v3;
	_ =	sdelay $0x1  }
0x54: {  	s14 =	simm.s32 $0x4100  }
0x55: {  	[tilespmem:s14], [sflag:$0x1] =	stream.indirect_vreg.gather [hbm4b:s1+s4], $0x80, v4, vm0, $0xb8;
	[tilespmem:$0x10100] =	vst v63  }
0x56: {  	s16 =	simm.s32 $0x4900  }
0x57: {  	[tilespmem:s16], [sflag:$0x1] =	stream.indirect_vreg.gather [hbm4b:s1+s4], $0x80, v3, vm0, $0xb8;
	[tilespmem:$0x10100] =	vst v63  }
0x58: {  	v3 =	vld [tilespmem:$0x50];
	_ =	sdelay $0x4  }
0x59: {  	v61 =	vshll.u32 v3, $0x1  }
0x5a: {  	v3 =	vand.u32 $0x7, v3;
	v4 =	vand.u32 $0xFFFFFFF0, v61  }
0x5b: {  	v3 =	vor.u32 v3, v4  }
0x5c: {  	v4 =	vperm.xlane v3, v0;
	_ =	sdelay $0x1  }
0x5d: {  	v3 =	vperm.xlane v3, v2;
	v4 =	vadd.s32 v1, v4;
	_ =	sdelay $0x1  }
0x5e: {  	v3 =	vadd.s32 v1, v3;
	_ =	sdelay $0x1  }
0x5f: {  	s17 =	simm.s32 $0x5100  }
0x60: {  	[tilespmem:s17], [sflag:$0x1] =	stream.indirect_vreg.gather [hbm4b:s1+s4], $0x80, v4, vm0, $0xb8;
	[tilespmem:$0x10100] =	vst v63  }
0x61: {  	s18 =	simm.s32 $0x5900  }
0x62: {  	[tilespmem:s18], [sflag:$0x1] =	stream.indirect_vreg.gather [hbm4b:s1+s4], $0x80, v3, vm0, $0xb8;
	[tilespmem:$0x10100] =	vst v63  }
0x63: {  	v3 =	vld [tilespmem:$0x60];
	_ =	sdelay $0x4  }
0x64: {  	v62 =	vshll.u32 v3, $0x1  }
0x65: {  	v3 =	vand.u32 $0x7, v3;
	v4 =	vand.u32 $0xFFFFFFF0, v62  }
0x66: {  	v3 =	vor.u32 v3, v4  }
0x67: {  	v4 =	vperm.xlane v3, v0;
	_ =	sdelay $0x1  }
0x68: {  	v3 =	vperm.xlane v3, v2;
	v4 =	vadd.s32 v1, v4;
	_ =	sdelay $0x1  }
0x69: {  	v3 =	vadd.s32 v1, v3;
	_ =	sdelay $0x1  }
0x6a: {  	s19 =	simm.s32 $0x6100  }
0x6b: {  	[tilespmem:s19], [sflag:$0x1] =	stream.indirect_vreg.gather [hbm4b:s1+s4], $0x80, v4, vm0, $0xb8;
	[tilespmem:$0x10100] =	vst v63  }
0x6c: {  	s20 =	simm.s32 $0x6900  }
0x6d: {  	[tilespmem:s20], [sflag:$0x1] =	stream.indirect_vreg.gather [hbm4b:s1+s4], $0x80, v3, vm0, $0xb8;
	[tilespmem:$0x10100] =	vst v63  }
0x6e: {  	v3 =	vld [tilespmem:$0x70];
	_ =	sdelay $0x4  }
0x6f: {  	v63 =	vshll.u32 v3, $0x1  }
0x70: {  	v3 =	vand.u32 $0x7, v3;
	v4 =	vand.u32 $0xFFFFFFF0, v63  }
0x71: {  	v3 =	vor.u32 v3, v4  }
0x72: {  	v4 =	vperm.xlane v3, v0;
	_ =	sdelay $0x1  }
0x73: {  	v3 =	vperm.xlane v3, v2;
	v4 =	vadd.s32 v1, v4;
	_ =	sdelay $0x1  }
0x74: {  	v3 =	vadd.s32 v1, v3;
	_ =	sdelay $0x1  }
0x75: {  	s21 =	simm.s32 $0x7100  }
0x76: {  	[tilespmem:s21], [sflag:$0x1] =	stream.indirect_vreg.gather [hbm4b:s1+s4], $0x80, v4, vm0, $0xb8;
	[tilespmem:$0x10100] =	vst v63  }
0x77: {  	s22 =	simm.s32 $0x7900  }
0x78: {  	[tilespmem:s22], [sflag:$0x1] =	stream.indirect_vreg.gather [hbm4b:s1+s4], $0x80, v3, vm0, $0xb8;
	[tilespmem:$0x10100] =	vst v63  }
0x79: {  	v3 =	vld [tilespmem:$0x80];
	_ =	sdelay $0x4  }
0x7a: {  	v8 =	vshll.u32 v3, $0x1  }
0x7b: {  	v3 =	vand.u32 $0x7, v3;
	v4 =	vand.u32 $0xFFFFFFF0, v8  }
0x7c: {  	v3 =	vor.u32 v3, v4  }
0x7d: {  	v4 =	vperm.xlane v3, v0;
	_ =	sdelay $0x1  }
0x7e: {  	v3 =	vperm.xlane v3, v2;
	v4 =	vadd.s32 v1, v4;
	_ =	sdelay $0x1  }
0x7f: {  	v3 =	vadd.s32 v1, v3;
	_ =	sdelay $0x2  }
0x80: {  	[tilespmem:s24], [sflag:$0x1] =	stream.indirect_vreg.gather [hbm4b:s3+s4], $0x80, v4, vm0, $0xb8;
	[tilespmem:$0x10100] =	vst v63  }
0x81: {  	s25 =	simm.s32 $0x8900  }
0x82: {  	[tilespmem:s25], [sflag:$0x1] =	stream.indirect_vreg.gather [hbm4b:s3+s4], $0x80, v3, vm0, $0xb8;
	[tilespmem:$0x10100] =	vst v63  }
0x83: {  	v3 =	vld [tilespmem:$0x90];
	_ =	sdelay $0x4  }
0x84: {  	v9 =	vshll.u32 v3, $0x1  }
0x85: {  	v3 =	vand.u32 $0x7, v3;
	v4 =	vand.u32 $0xFFFFFFF0, v9  }
0x86: {  	v3 =	vor.u32 v3, v4  }
0x87: {  	v4 =	vperm.xlane v3, v0;
	_ =	sdelay $0x1  }
0x88: {  	v3 =	vperm.xlane v3, v2;
	v4 =	vadd.s32 v1, v4;
	_ =	sdelay $0x1  }
0x89: {  	v3 =	vadd.s32 v1, v3;
	_ =	sdelay $0x1  }
0x8a: {  	s26 =	simm.s32 $0x9100  }
0x8b: {  	[tilespmem:s26], [sflag:$0x1] =	stream.indirect_vreg.gather [hbm4b:s3+s4], $0x80, v4, vm0, $0xb8;
	[tilespmem:$0x10100] =	vst v63  }
0x8c: {  	s28 =	simm.s32 $0x9900  }
0x8d: {  	[tilespmem:s28], [sflag:$0x1] =	stream.indirect_vreg.gather [hbm4b:s3+s4], $0x80, v3, vm0, $0xb8;
	[tilespmem:$0x10100] =	vst v63  }
0x8e: {  	v3 =	vld [tilespmem:$0xA0];
	_ =	sdelay $0x4  }
0x8f: {  	v10 =	vshll.u32 v3, $0x1  }
0x90: {  	v3 =	vand.u32 $0x7, v3;
	v4 =	vand.u32 $0xFFFFFFF0, v10  }
0x91: {  	v3 =	vor.u32 v3, v4  }
0x92: {  	v4 =	vperm.xlane v3, v0;
	_ =	sdelay $0x1  }
0x93: {  	v3 =	vperm.xlane v3, v2;
	v4 =	vadd.s32 v1, v4;
	_ =	sdelay $0x1  }
0x94: {  	v3 =	vadd.s32 v1, v3;
	_ =	sdelay $0x1  }
0x95: {  	s30 =	simm.s32 $0xA100  }
0x96: {  	[tilespmem:s30], [sflag:$0x1] =	stream.indirect_vreg.gather [hbm4b:s3+s4], $0x80, v4, vm0, $0xb8;
	[tilespmem:$0x10100] =	vst v63  }
0x97: {  	s31 =	simm.s32 $0xA900  }
0x98: {  	[tilespmem:s31], [sflag:$0x1] =	stream.indirect_vreg.gather [hbm4b:s3+s4], $0x80, v3, vm0, $0xb8;
	[tilespmem:$0x10100] =	vst v63  }
0x99: {  	v3 =	vld [tilespmem:$0xB0];
	_ =	sdelay $0x4  }
0x9a: {  	v11 =	vshll.u32 v3, $0x1  }
0x9b: {  	v3 =	vand.u32 $0x7, v3;
	v4 =	vand.u32 $0xFFFFFFF0, v11  }
0x9c: {  	v3 =	vor.u32 v3, v4  }
0x9d: {  	v4 =	vperm.xlane v3, v0;
	_ =	sdelay $0x1  }
0x9e: {  	v3 =	vperm.xlane v3, v2;
	v4 =	vadd.s32 v1, v4;
	_ =	sdelay $0x1  }
0x9f: {  	v3 =	vadd.s32 v1, v3;
	_ =	sdelay $0x1  }
0xa0: {  	s12 =	simm.s32 $0xB100  }
0xa1: {  	[tilespmem:s12], [sflag:$0x1] =	stream.indirect_vreg.gather [hbm4b:s3+s4], $0x80, v4, vm0, $0xb8;
	[tilespmem:$0x10100] =	vst v63  }
0xa2: {  	s13 =	simm.s32 $0xB900  }
0xa3: {  	[tilespmem:s13], [sflag:$0x1] =	stream.indirect_vreg.gather [hbm4b:s3+s4], $0x80, v3, vm0, $0xb8;
	[tilespmem:$0x10100] =	vst v63  }
0xa4: {  	v3 =	vld [tilespmem:$0xC0];
	_ =	sdelay $0x4  }
0xa5: {  	v12 =	vshll.u32 v3, $0x1  }
0xa6: {  	v3 =	vand.u32 $0x7, v3;
	v4 =	vand.u32 $0xFFFFFFF0, v12  }
0xa7: {  	v3 =	vor.u32 v3, v4  }
0xa8: {  	v4 =	vperm.xlane v3, v0;
	_ =	sdelay $0x1  }
0xa9: {  	v3 =	vperm.xlane v3, v2;
	v4 =	vadd.s32 v1, v4;
	_ =	sdelay $0x1  }
0xaa: {  	v3 =	vadd.s32 v1, v3;
	_ =	sdelay $0x1  }
0xab: {  	s14 =	simm.s32 $0xC100  }
0xac: {  	[tilespmem:s14], [sflag:$0x1] =	stream.indirect_vreg.gather [hbm4b:s3+s4], $0x80, v4, vm0, $0xb8;
	[tilespmem:$0x10100] =	vst v63  }
0xad: {  	s17 =	simm.s32 $0xC900  }
0xae: {  	[tilespmem:s17], [sflag:$0x1] =	stream.indirect_vreg.gather [hbm4b:s3+s4], $0x80, v3, vm0, $0xb8;
	[tilespmem:$0x10100] =	vst v63  }
0xaf: {  	v3 =	vld [tilespmem:$0xD0];
	_ =	sdelay $0x4  }
0xb0: {  	v13 =	vshll.u32 v3, $0x1  }
0xb1: {  	v3 =	vand.u32 $0x7, v3;
	v4 =	vand.u32 $0xFFFFFFF0, v13  }
0xb2: {  	v3 =	vor.u32 v3, v4  }
0xb3: {  	v4 =	vperm.xlane v3, v0;
	_ =	sdelay $0x1  }
0xb4: {  	v3 =	vperm.xlane v3, v2;
	v4 =	vadd.s32 v1, v4;
	_ =	sdelay $0x1  }
0xb5: {  	v3 =	vadd.s32 v1, v3;
	_ =	sdelay $0x1  }
0xb6: {  	s19 =	simm.s32 $0xD100  }
0xb7: {  	[tilespmem:s19], [sflag:$0x1] =	stream.indirect_vreg.gather [hbm4b:s3+s4], $0x80, v4, vm0, $0xb8;
	[tilespmem:$0x10100] =	vst v63  }
0xb8: {  	s25 =	simm.s32 $0xD900  }
0xb9: {  	[tilespmem:s25], [sflag:$0x1] =	stream.indirect_vreg.gather [hbm4b:s3+s4], $0x80, v3, vm0, $0xb8;
	[tilespmem:$0x10100] =	vst v63  }
0xba: {  	v3 =	vld [tilespmem:$0xE0];
	_ =	sdelay $0x4  }
0xbb: {  	v14 =	vshll.u32 v3, $0x1  }
0xbc: {  	v3 =	vand.u32 $0x7, v3;
	v4 =	vand.u32 $0xFFFFFFF0, v14  }
0xbd: {  	v3 =	vor.u32 v3, v4  }
0xbe: {  	v4 =	vperm.xlane v3, v0;
	_ =	sdelay $0x1  }
0xbf: {  	v3 =	vperm.xlane v3, v2;
	v4 =	vadd.s32 v1, v4;
	_ =	sdelay $0x1  }
0xc0: {  	v3 =	vadd.s32 v1, v3;
	_ =	sdelay $0x1  }
0xc1: {  	s28 =	simm.s32 $0xE100  }
0xc2: {  	[tilespmem:s28], [sflag:$0x1] =	stream.indirect_vreg.gather [hbm4b:s3+s4], $0x80, v4, vm0, $0xb8;
	[tilespmem:$0x10100] =	vst v63  }
0xc3: {  	s30 =	simm.s32 $0xE900  }
0xc4: {  	[tilespmem:s30], [sflag:$0x1] =	stream.indirect_vreg.gather [hbm4b:s3+s4], $0x80, v3, vm0, $0xb8;
	[tilespmem:$0x10100] =	vst v63  }
0xc5: {  	v3 =	vld [tilespmem:$0xF0];
	_ =	sdelay $0x4  }
0xc6: {  	v15 =	vshll.u32 v3, $0x1  }
0xc7: {  	v3 =	vand.u32 $0x7, v3;
	v4 =	vand.u32 $0xFFFFFFF0, v15  }
0xc8: {  	v3 =	vor.u32 v3, v4  }
0xc9: {  	v4 =	vperm.xlane v3, v0;
	_ =	sdelay $0x1  }
0xca: {  	v3 =	vperm.xlane v3, v2;
	v4 =	vadd.s32 v1, v4;
	_ =	sdelay $0x1  }
0xcb: {  	v3 =	vadd.s32 v1, v3;
	_ =	sdelay $0x1  }
0xcc: {  	s0 =	simm.s32 $0xF100  }
0xcd: {  	[tilespmem:s0], [sflag:$0x1] =	stream.indirect_vreg.gather [hbm4b:s3+s4], $0x80, v4, vm0, $0xb8;
	[tilespmem:$0x10100] =	vst v63  }
0xce: {  	s12 =	simm.s32 $0xF900  }
0xcf: {  	[tilespmem:s12], [sflag:$0x1] =	stream.indirect_vreg.gather [hbm4b:s3+s4], $0x80, v3, vm0, $0xb8;
	[tilespmem:$0x10100] =	vst v63  }
0xd0: {  	_ =	swait.ge [sflag:s15], $0x8000  }
0xd1: {  	[sflag:s15] =	ssyncset.done $0x0  }
0xd2: {  	[sflag:s15] =	ssyncadd.s32 $0xFFFF8000  }
0xd3: {  	_ =	swait.ge [sflag:s15], $0x8000  }
0xd4: {  	[sflag:s15] =	ssyncset.done $0x0  }
0xd5: {  	s13 =	rddreg [dreg:$0x8];
	[sflag:s15] =	ssyncadd.s32 $0xFFFF8000  }
0xd6: {  	[hbm4b:s13+s4] =	stream.linear.scatter [tilespmem:s29], [sflag:$0x2], $0x8000, $0x38;
	[tilespmem:$0x10100] =	vst v63  }
0xd7: {  	_ =	swait.ge [sflag:s6], $0x8000  }
0xd8: {  	[sflag:s6] =	ssyncset.done $0x0  }
0xd9: {  	s25 =	rddreg [dreg:$0x9];
	[sflag:s6] =	ssyncadd.s32 $0xFFFF8000  }
0xda: {  	[hbm4b:s25+s4] =	stream.linear.scatter [tilespmem:s24], [sflag:$0x2], $0x8000, $0x38;
	[tilespmem:$0x10100] =	vst v63  }
0xdb: {  	_ =	swait.ge [sflag:s6], $0x8000  }
0xdc: {  	[sflag:s6] =	ssyncset.done $0x0  }
0xdd: {  	s28 =	rddreg [dreg:$0xa];
	[sflag:s6] =	ssyncadd.s32 $0xFFFF8000  }
0xde: {  	[tilespmem:s4], [sflag:$0x2] =	stream.linear.gather [hbm4b:s28+s4], $0x80, $0x38;
	[tilespmem:$0x10100] =	vst v63  }
0xdf: {  	_ =	swait.ge [sflag:s6], $0x80  }
0xe0: {  	[sflag:s6] =	ssyncset.done $0x0  }
0xe1: {  	s2 =	simm.s32 $0x80;
	s30 =	rddreg [dreg:$0xb];
	[sflag:s6] =	ssyncadd.s32 $0xFFFFFF80  }
0xe2: {  	[tilespmem:s2], [sflag:$0x2] =	stream.linear.gather [hbm4b:s30+s4], $0x80, $0x38;
	[tilespmem:$0x10100] =	vst v63  }
0xe3: {  	_ =	swait.ge [sflag:s6], $0x80  }
0xe4: {  	[sflag:s6] =	ssyncset.done $0x0  }
0xe5: {  	[sflag:s6] =	ssyncadd.s32 $0xFFFFFF80  }
0xe6: {  	v3 =	vld [tilespmem:$0x0];
	_ =	sdelay $0x4  }
0xe7: {  	v16 =	vshll.u32 v3, $0x1  }
0xe8: {  	v3 =	vand.u32 $0x7, v3;
	v4 =	vand.u32 $0xFFFFFFF0, v16  }
0xe9: {  	v3 =	vor.u32 v3, v4  }
0xea: {  	v4 =	vperm.xlane v3, v0;
	_ =	sdelay $0x1  }
0xeb: {  	v3 =	vperm.xlane v3, v2;
	v4 =	vadd.s32 v1, v4;
	_ =	sdelay $0x1  }
0xec: {  	v3 =	vadd.s32 v1, v3;
	_ =	sdelay $0x2  }
0xed: {  	[tilespmem:s29], [sflag:$0x1] =	stream.indirect_vreg.gather [hbm4b:s1+s4], $0x80, v4, vm0, $0xb8;
	[tilespmem:$0x10100] =	vst v63  }
0xee: {  	s7 =	simm.s32 $0x900  }
0xef: {  	[tilespmem:s7], [sflag:$0x1] =	stream.indirect_vreg.gather [hbm4b:s1+s4], $0x80, v3, vm0, $0xb8;
	[tilespmem:$0x10100] =	vst v63  }
0xf0: {  	v3 =	vld [tilespmem:$0x10];
	_ =	sdelay $0x4  }
0xf1: {  	v17 =	vshll.u32 v3, $0x1  }
0xf2: {  	v3 =	vand.u32 $0x7, v3;
	v4 =	vand.u32 $0xFFFFFFF0, v17  }
0xf3: {  	v3 =	vor.u32 v3, v4  }
0xf4: {  	v4 =	vperm.xlane v3, v0;
	_ =	sdelay $0x1  }
0xf5: {  	v3 =	vperm.xlane v3, v2;
	v4 =	vadd.s32 v1, v4;
	_ =	sdelay $0x1  }
0xf6: {  	v3 =	vadd.s32 v1, v3;
	_ =	sdelay $0x1  }
0xf7: {  	s2 =	simm.s32 $0x1100  }
0xf8: {  	[tilespmem:s2], [sflag:$0x1] =	stream.indirect_vreg.gather [hbm4b:s1+s4], $0x80, v4, vm0, $0xb8;
	[tilespmem:$0x10100] =	vst v63  }
0xf9: {  	s10 =	simm.s32 $0x1900  }
0xfa: {  	[tilespmem:s10], [sflag:$0x1] =	stream.indirect_vreg.gather [hbm4b:s1+s4], $0x80, v3, vm0, $0xb8;
	[tilespmem:$0x10100] =	vst v63  }
0xfb: {  	v3 =	vld [tilespmem:$0x20];
	_ =	sdelay $0x4  }
0xfc: {  	v18 =	vshll.u32 v3, $0x1  }
0xfd: {  	v3 =	vand.u32 $0x7, v3;
	v4 =	vand.u32 $0xFFFFFFF0, v18  }
0xfe: {  	v3 =	vor.u32 v3, v4  }
0xff: {  	v4 =	vperm.xlane v3, v0;
	_ =	sdelay $0x1  }
0x100: {  	v3 =	vperm.xlane v3, v2;
	v4 =	vadd.s32 v1, v4;
	_ =	sdelay $0x1  }
0x101: {  	v3 =	vadd.s32 v1, v3;
	_ =	sdelay $0x1  }
0x102: {  	s7 =	simm.s32 $0x2100  }
0x103: {  	[tilespmem:s7], [sflag:$0x1] =	stream.indirect_vreg.gather [hbm4b:s1+s4], $0x80, v4, vm0, $0xb8;
	[tilespmem:$0x10100] =	vst v63  }
0x104: {  	s23 =	simm.s32 $0x2900  }
0x105: {  	[tilespmem:s23], [sflag:$0x1] =	stream.indirect_vreg.gather [hbm4b:s1+s4], $0x80, v3, vm0, $0xb8;
	[tilespmem:$0x10100] =	vst v63  }
0x106: {  	v3 =	vld [tilespmem:$0x30];
	_ =	sdelay $0x4  }
0x107: {  	v19 =	vshll.u32 v3, $0x1  }
0x108: {  	v3 =	vand.u32 $0x7, v3;
	v4 =	vand.u32 $0xFFFFFFF0, v19  }
0x109: {  	v3 =	vor.u32 v3, v4  }
0x10a: {  	v4 =	vperm.xlane v3, v0;
	_ =	sdelay $0x1  }
0x10b: {  	v3 =	vperm.xlane v3, v2;
	v4 =	vadd.s32 v1, v4;
	_ =	sdelay $0x1  }
0x10c: {  	v3 =	vadd.s32 v1, v3;
	_ =	sdelay $0x1  }
0x10d: {  	s8 =	simm.s32 $0x3100  }
0x10e: {  	[tilespmem:s8], [sflag:$0x1] =	stream.indirect_vreg.gather [hbm4b:s1+s4], $0x80, v4, vm0, $0xb8;
	[tilespmem:$0x10100] =	vst v63  }
0x10f: {  	s28 =	simm.s32 $0x3900  }
0x110: {  	[tilespmem:s28], [sflag:$0x1] =	stream.indirect_vreg.gather [hbm4b:s1+s4], $0x80, v3, vm0, $0xb8;
	[tilespmem:$0x10100] =	vst v63  }
0x111: {  	v3 =	vld [tilespmem:$0x40];
	_ =	sdelay $0x4  }
0x112: {  	v20 =	vshll.u32 v3, $0x1  }
0x113: {  	v3 =	vand.u32 $0x7, v3;
	v4 =	vand.u32 $0xFFFFFFF0, v20  }
0x114: {  	v3 =	vor.u32 v3, v4  }
0x115: {  	v4 =	vperm.xlane v3, v0;
	_ =	sdelay $0x1  }
0x116: {  	v3 =	vperm.xlane v3, v2;
	v4 =	vadd.s32 v1, v4;
	_ =	sdelay $0x1  }
0x117: {  	v3 =	vadd.s32 v1, v3;
	_ =	sdelay $0x1  }
0x118: {  	s9 =	simm.s32 $0x4100  }
0x119: {  	[tilespmem:s9], [sflag:$0x1] =	stream.indirect_vreg.gather [hbm4b:s1+s4], $0x80, v4, vm0, $0xb8;
	[tilespmem:$0x10100] =	vst v63  }
0x11a: {  	s11 =	simm.s32 $0x4900  }
0x11b: {  	[tilespmem:s11], [sflag:$0x1] =	stream.indirect_vreg.gather [hbm4b:s1+s4], $0x80, v3, vm0, $0xb8;
	[tilespmem:$0x10100] =	vst v63  }
0x11c: {  	v3 =	vld [tilespmem:$0x50];
	_ =	sdelay $0x4  }
0x11d: {  	v21 =	vshll.u32 v3, $0x1  }
0x11e: {  	v3 =	vand.u32 $0x7, v3;
	v4 =	vand.u32 $0xFFFFFFF0, v21  }
0x11f: {  	v3 =	vor.u32 v3, v4  }
0x120: {  	v4 =	vperm.xlane v3, v0;
	_ =	sdelay $0x1  }
0x121: {  	v3 =	vperm.xlane v3, v2;
	v4 =	vadd.s32 v1, v4;
	_ =	sdelay $0x1  }
0x122: {  	v3 =	vadd.s32 v1, v3;
	_ =	sdelay $0x1  }
0x123: {  	s11 =	simm.s32 $0x5100  }
0x124: {  	[tilespmem:s11], [sflag:$0x1] =	stream.indirect_vreg.gather [hbm4b:s1+s4], $0x80, v4, vm0, $0xb8;
	[tilespmem:$0x10100] =	vst v63  }
0x125: {  	s12 =	simm.s32 $0x5900  }
0x126: {  	[tilespmem:s12], [sflag:$0x1] =	stream.indirect_vreg.gather [hbm4b:s1+s4], $0x80, v3, vm0, $0xb8;
	[tilespmem:$0x10100] =	vst v63  }
0x127: {  	v3 =	vld [tilespmem:$0x60];
	_ =	sdelay $0x4  }
0x128: {  	v22 =	vshll.u32 v3, $0x1  }
0x129: {  	v3 =	vand.u32 $0x7, v3;
	v4 =	vand.u32 $0xFFFFFFF0, v22  }
0x12a: {  	v3 =	vor.u32 v3, v4  }
0x12b: {  	v4 =	vperm.xlane v3, v0;
	_ =	sdelay $0x1  }
0x12c: {  	v3 =	vperm.xlane v3, v2;
	v4 =	vadd.s32 v1, v4;
	_ =	sdelay $0x1  }
0x12d: {  	v3 =	vadd.s32 v1, v3;
	_ =	sdelay $0x1  }
0x12e: {  	s13 =	simm.s32 $0x6100  }
0x12f: {  	[tilespmem:s13], [sflag:$0x1] =	stream.indirect_vreg.gather [hbm4b:s1+s4], $0x80, v4, vm0, $0xb8;
	[tilespmem:$0x10100] =	vst v63  }
0x130: {  	s8 =	simm.s32 $0x6900  }
0x131: {  	[tilespmem:s8], [sflag:$0x1] =	stream.indirect_vreg.gather [hbm4b:s1+s4], $0x80, v3, vm0, $0xb8;
	[tilespmem:$0x10100] =	vst v63  }
0x132: {  	v3 =	vld [tilespmem:$0x70];
	_ =	sdelay $0x4  }
0x133: {  	v23 =	vshll.u32 v3, $0x1  }
0x134: {  	v3 =	vand.u32 $0x7, v3;
	v4 =	vand.u32 $0xFFFFFFF0, v23  }
0x135: {  	v3 =	vor.u32 v3, v4  }
0x136: {  	v4 =	vperm.xlane v3, v0;
	_ =	sdelay $0x1  }
0x137: {  	v3 =	vperm.xlane v3, v2;
	v4 =	vadd.s32 v1, v4;
	_ =	sdelay $0x1  }
0x138: {  	v3 =	vadd.s32 v1, v3;
	_ =	sdelay $0x1  }
0x139: {  	s0 =	simm.s32 $0x7100  }
0x13a: {  	[tilespmem:s0], [sflag:$0x1] =	stream.indirect_vreg.gather [hbm4b:s1+s4], $0x80, v4, vm0, $0xb8;
	[tilespmem:$0x10100] =	vst v63  }
0x13b: {  	s9 =	simm.s32 $0x7900  }
0x13c: {  	[tilespmem:s9], [sflag:$0x1] =	stream.indirect_vreg.gather [hbm4b:s1+s4], $0x80, v3, vm0, $0xb8;
	[tilespmem:$0x10100] =	vst v63  }
0x13d: {  	v3 =	vld [tilespmem:$0x80];
	_ =	sdelay $0x4  }
0x13e: {  	v24 =	vshll.u32 v3, $0x1  }
0x13f: {  	v3 =	vand.u32 $0x7, v3;
	v4 =	vand.u32 $0xFFFFFFF0, v24  }
0x140: {  	v3 =	vor.u32 v3, v4  }
0x141: {  	v4 =	vperm.xlane v3, v0;
	_ =	sdelay $0x1  }
0x142: {  	v3 =	vperm.xlane v3, v2;
	v4 =	vadd.s32 v1, v4;
	_ =	sdelay $0x1  }
0x143: {  	v3 =	vadd.s32 v1, v3;
	_ =	sdelay $0x2  }
0x144: {  	[tilespmem:s24], [sflag:$0x1] =	stream.indirect_vreg.gather [hbm4b:s3+s4], $0x80, v4, vm0, $0xb8;
	[tilespmem:$0x10100] =	vst v63  }
0x145: {  	s10 =	simm.s32 $0x8900  }
0x146: {  	[tilespmem:s10], [sflag:$0x1] =	stream.indirect_vreg.gather [hbm4b:s3+s4], $0x80, v3, vm0, $0xb8;
	[tilespmem:$0x10100] =	vst v63  }
0x147: {  	v3 =	vld [tilespmem:$0x90];
	_ =	sdelay $0x4  }
0x148: {  	v25 =	vshll.u32 v3, $0x1  }
0x149: {  	v3 =	vand.u32 $0x7, v3;
	v4 =	vand.u32 $0xFFFFFFF0, v25  }
0x14a: {  	v3 =	vor.u32 v3, v4  }
0x14b: {  	v4 =	vperm.xlane v3, v0;
	_ =	sdelay $0x1  }
0x14c: {  	v3 =	vperm.xlane v3, v2;
	v4 =	vadd.s32 v1, v4;
	_ =	sdelay $0x1  }
0x14d: {  	v3 =	vadd.s32 v1, v3;
	_ =	sdelay $0x1  }
0x14e: {  	s20 =	simm.s32 $0x9100  }
0x14f: {  	[tilespmem:s20], [sflag:$0x1] =	stream.indirect_vreg.gather [hbm4b:s3+s4], $0x80, v4, vm0, $0xb8;
	[tilespmem:$0x10100] =	vst v63  }
0x150: {  	s20 =	simm.s32 $0x9900  }
0x151: {  	[tilespmem:s20], [sflag:$0x1] =	stream.indirect_vreg.gather [hbm4b:s3+s4], $0x80, v3, vm0, $0xb8;
	[tilespmem:$0x10100] =	vst v63  }
0x152: {  	v3 =	vld [tilespmem:$0xA0];
	_ =	sdelay $0x4  }
0x153: {  	v26 =	vshll.u32 v3, $0x1  }
0x154: {  	v3 =	vand.u32 $0x7, v3;
	v4 =	vand.u32 $0xFFFFFFF0, v26  }
0x155: {  	v3 =	vor.u32 v3, v4  }
0x156: {  	v4 =	vperm.xlane v3, v0;
	_ =	sdelay $0x1  }
0x157: {  	v3 =	vperm.xlane v3, v2;
	v4 =	vadd.s32 v1, v4;
	_ =	sdelay $0x1  }
0x158: {  	v3 =	vadd.s32 v1, v3;
	_ =	sdelay $0x1  }
0x159: {  	s22 =	simm.s32 $0xA100  }
0x15a: {  	[tilespmem:s22], [sflag:$0x1] =	stream.indirect_vreg.gather [hbm4b:s3+s4], $0x80, v4, vm0, $0xb8;
	[tilespmem:$0x10100] =	vst v63  }
0x15b: {  	s23 =	simm.s32 $0xA900  }
0x15c: {  	[tilespmem:s23], [sflag:$0x1] =	stream.indirect_vreg.gather [hbm4b:s3+s4], $0x80, v3, vm0, $0xb8;
	[tilespmem:$0x10100] =	vst v63  }
0x15d: {  	v3 =	vld [tilespmem:$0xB0];
	_ =	sdelay $0x4  }
0x15e: {  	v27 =	vshll.u32 v3, $0x1  }
0x15f: {  	v3 =	vand.u32 $0x7, v3;
	v4 =	vand.u32 $0xFFFFFFF0, v27  }
0x160: {  	v3 =	vor.u32 v3, v4  }
0x161: {  	v4 =	vperm.xlane v3, v0;
	_ =	sdelay $0x1  }
0x162: {  	v3 =	vperm.xlane v3, v2;
	v4 =	vadd.s32 v1, v4;
	_ =	sdelay $0x1  }
0x163: {  	v3 =	vadd.s32 v1, v3;
	_ =	sdelay $0x1  }
0x164: {  	s26 =	simm.s32 $0xB100  }
0x165: {  	[tilespmem:s26], [sflag:$0x1] =	stream.indirect_vreg.gather [hbm4b:s3+s4], $0x80, v4, vm0, $0xb8;
	[tilespmem:$0x10100] =	vst v63  }
0x166: {  	s18 =	simm.s32 $0xB900  }
0x167: {  	[tilespmem:s18], [sflag:$0x1] =	stream.indirect_vreg.gather [hbm4b:s3+s4], $0x80, v3, vm0, $0xb8;
	[tilespmem:$0x10100] =	vst v63  }
0x168: {  	v3 =	vld [tilespmem:$0xC0];
	_ =	sdelay $0x4  }
0x169: {  	v28 =	vshll.u32 v3, $0x1  }
0x16a: {  	v3 =	vand.u32 $0x7, v3;
	v4 =	vand.u32 $0xFFFFFFF0, v28  }
0x16b: {  	v3 =	vor.u32 v3, v4  }
0x16c: {  	v4 =	vperm.xlane v3, v0;
	_ =	sdelay $0x1  }
0x16d: {  	v3 =	vperm.xlane v3, v2;
	v4 =	vadd.s32 v1, v4;
	_ =	sdelay $0x1  }
0x16e: {  	v3 =	vadd.s32 v1, v3;
	_ =	sdelay $0x1  }
0x16f: {  	s31 =	simm.s32 $0xC100  }
0x170: {  	[tilespmem:s31], [sflag:$0x1] =	stream.indirect_vreg.gather [hbm4b:s3+s4], $0x80, v4, vm0, $0xb8;
	[tilespmem:$0x10100] =	vst v63  }
0x171: {  	s21 =	simm.s32 $0xC900  }
0x172: {  	[tilespmem:s21], [sflag:$0x1] =	stream.indirect_vreg.gather [hbm4b:s3+s4], $0x80, v3, vm0, $0xb8;
	[tilespmem:$0x10100] =	vst v63  }
0x173: {  	v3 =	vld [tilespmem:$0xD0];
	_ =	sdelay $0x4  }
0x174: {  	v29 =	vshll.u32 v3, $0x1  }
0x175: {  	v3 =	vand.u32 $0x7, v3;
	v4 =	vand.u32 $0xFFFFFFF0, v29  }
0x176: {  	v3 =	vor.u32 v3, v4  }
0x177: {  	v4 =	vperm.xlane v3, v0;
	_ =	sdelay $0x1  }
0x178: {  	v3 =	vperm.xlane v3, v2;
	v4 =	vadd.s32 v1, v4;
	_ =	sdelay $0x1  }
0x179: {  	v3 =	vadd.s32 v1, v3;
	_ =	sdelay $0x1  }
0x17a: {  	s31 =	simm.s32 $0xD100  }
0x17b: {  	[tilespmem:s31], [sflag:$0x1] =	stream.indirect_vreg.gather [hbm4b:s3+s4], $0x80, v4, vm0, $0xb8;
	[tilespmem:$0x10100] =	vst v63  }
0x17c: {  	s14 =	simm.s32 $0xD900  }
0x17d: {  	[tilespmem:s14], [sflag:$0x1] =	stream.indirect_vreg.gather [hbm4b:s3+s4], $0x80, v3, vm0, $0xb8;
	[tilespmem:$0x10100] =	vst v63  }
0x17e: {  	v3 =	vld [tilespmem:$0xE0];
	_ =	sdelay $0x4  }
0x17f: {  	v30 =	vshll.u32 v3, $0x1  }
0x180: {  	v3 =	vand.u32 $0x7, v3;
	v4 =	vand.u32 $0xFFFFFFF0, v30  }
0x181: {  	v3 =	vor.u32 v3, v4  }
0x182: {  	v4 =	vperm.xlane v3, v0;
	_ =	sdelay $0x1  }
0x183: {  	v3 =	vperm.xlane v3, v2;
	v4 =	vadd.s32 v1, v4;
	_ =	sdelay $0x1  }
0x184: {  	v3 =	vadd.s32 v1, v3;
	_ =	sdelay $0x1  }
0x185: {  	s16 =	simm.s32 $0xE100  }
0x186: {  	[tilespmem:s16], [sflag:$0x1] =	stream.indirect_vreg.gather [hbm4b:s3+s4], $0x80, v4, vm0, $0xb8;
	[tilespmem:$0x10100] =	vst v63  }
0x187: {  	s17 =	simm.s32 $0xE900  }
0x188: {  	[tilespmem:s17], [sflag:$0x1] =	stream.indirect_vreg.gather [hbm4b:s3+s4], $0x80, v3, vm0, $0xb8;
	[tilespmem:$0x10100] =	vst v63  }
0x189: {  	v3 =	vld [tilespmem:$0xF0];
	_ =	sdelay $0x4  }
0x18a: {  	v31 =	vshll.u32 v3, $0x1  }
0x18b: {  	v3 =	vand.u32 $0x7, v3;
	v4 =	vand.u32 $0xFFFFFFF0, v31  }
0x18c: {  	v3 =	vor.u32 v3, v4  }
0x18d: {  	v4 =	vperm.xlane v3, v0;
	_ =	sdelay $0x1  }
0x18e: {  	v3 =	vperm.xlane v3, v2;
	v4 =	vadd.s32 v1, v4;
	_ =	sdelay $0x1  }
0x18f: {  	v3 =	vadd.s32 v1, v3;
	_ =	sdelay $0x1  }
0x190: {  	s17 =	simm.s32 $0xF100  }
0x191: {  	[tilespmem:s17], [sflag:$0x1] =	stream.indirect_vreg.gather [hbm4b:s3+s4], $0x80, v4, vm0, $0xb8;
	[tilespmem:$0x10100] =	vst v63  }
0x192: {  	s19 =	simm.s32 $0xF900  }
0x193: {  	[tilespmem:s19], [sflag:$0x1] =	stream.indirect_vreg.gather [hbm4b:s3+s4], $0x80, v3, vm0, $0xb8;
	[tilespmem:$0x10100] =	vst v63  }
0x194: {  	_ =	swait.ge [sflag:s15], $0x8000  }
0x195: {  	[sflag:s15] =	ssyncset.done $0x0  }
0x196: {  	[sflag:s15] =	ssyncadd.s32 $0xFFFF8000  }
0x197: {  	_ =	swait.ge [sflag:s15], $0x8000  }
0x198: {  	[sflag:s15] =	ssyncset.done $0x0  }
0x199: {  	s19 =	rddreg [dreg:$0xc];
	[sflag:s15] =	ssyncadd.s32 $0xFFFF8000  }
0x19a: {  	[hbm4b:s19+s4] =	stream.linear.scatter [tilespmem:s29], [sflag:$0x2], $0x8000, $0x38;
	[tilespmem:$0x10100] =	vst v63  }
0x19b: {  	_ =	swait.ge [sflag:s6], $0x8000  }
0x19c: {  	[sflag:s6] =	ssyncset.done $0x0  }
0x19d: {  	s21 =	rddreg [dreg:$0xd];
	[sflag:s6] =	ssyncadd.s32 $0xFFFF8000  }
0x19e: {  	[hbm4b:s21+s4] =	stream.linear.scatter [tilespmem:s24], [sflag:$0x2], $0x8000, $0x38;
	[tilespmem:$0x10100] =	vst v63  }
0x19f: {  	_ =	swait.ge [sflag:s6], $0x8000  }
0x1a0: {  	[sflag:s6] =	ssyncset.done $0x0  }
0x1a1: {  	s17 =	rddreg [dreg:$0xe];
	[sflag:s6] =	ssyncadd.s32 $0xFFFF8000  }
0x1a2: {  	[tilespmem:s4], [sflag:$0x2] =	stream.linear.gather [hbm4b:s17+s4], $0x80, $0x38;
	[tilespmem:$0x10100] =	vst v63  }
0x1a3: {  	_ =	swait.ge [sflag:s6], $0x80  }
0x1a4: {  	[sflag:s6] =	ssyncset.done $0x0  }
0x1a5: {  	s21 =	simm.s32 $0x80;
	s19 =	rddreg [dreg:$0xf];
	[sflag:s6] =	ssyncadd.s32 $0xFFFFFF80  }
0x1a6: {  	[tilespmem:s21], [sflag:$0x2] =	stream.linear.gather [hbm4b:s19+s4], $0x80, $0x38;
	[tilespmem:$0x10100] =	vst v63  }
0x1a7: {  	_ =	swait.ge [sflag:s6], $0x80  }
0x1a8: {  	[sflag:s6] =	ssyncset.done $0x0  }
0x1a9: {  	[sflag:s6] =	ssyncadd.s32 $0xFFFFFF80  }
0x1aa: {  	v3 =	vld [tilespmem:$0x0];
	_ =	sdelay $0x4  }
0x1ab: {  	v32 =	vshll.u32 v3, $0x1  }
0x1ac: {  	v3 =	vand.u32 $0x7, v3;
	v4 =	vand.u32 $0xFFFFFFF0, v32  }
0x1ad: {  	v3 =	vor.u32 v3, v4  }
0x1ae: {  	v4 =	vperm.xlane v3, v0;
	_ =	sdelay $0x1  }
0x1af: {  	v3 =	vperm.xlane v3, v2;
	v4 =	vadd.s32 v1, v4;
	_ =	sdelay $0x1  }
0x1b0: {  	v3 =	vadd.s32 v1, v3;
	_ =	sdelay $0x2  }
0x1b1: {  	[tilespmem:s29], [sflag:$0x1] =	stream.indirect_vreg.gather [hbm4b:s1+s4], $0x80, v4, vm0, $0xb8;
	[tilespmem:$0x10100] =	vst v63  }
0x1b2: {  	s17 =	simm.s32 $0x900  }
0x1b3: {  	[tilespmem:s17], [sflag:$0x1] =	stream.indirect_vreg.gather [hbm4b:s1+s4], $0x80, v3, vm0, $0xb8;
	[tilespmem:$0x10100] =	vst v63  }
0x1b4: {  	v3 =	vld [tilespmem:$0x10];
	_ =	sdelay $0x4  }
0x1b5: {  	v33 =	vshll.u32 v3, $0x1  }
0x1b6: {  	v3 =	vand.u32 $0x7, v3;
	v4 =	vand.u32 $0xFFFFFFF0, v33  }
0x1b7: {  	v3 =	vor.u32 v3, v4  }
0x1b8: {  	v4 =	vperm.xlane v3, v0;
	_ =	sdelay $0x1  }
0x1b9: {  	v3 =	vperm.xlane v3, v2;
	v4 =	vadd.s32 v1, v4;
	_ =	sdelay $0x1  }
0x1ba: {  	v3 =	vadd.s32 v1, v3;
	_ =	sdelay $0x2  }
0x1bb: {  	[tilespmem:s2], [sflag:$0x1] =	stream.indirect_vreg.gather [hbm4b:s1+s4], $0x80, v4, vm0, $0xb8;
	[tilespmem:$0x10100] =	vst v63  }
0x1bc: {  	s19 =	simm.s32 $0x1900  }
0x1bd: {  	[tilespmem:s19], [sflag:$0x1] =	stream.indirect_vreg.gather [hbm4b:s1+s4], $0x80, v3, vm0, $0xb8;
	[tilespmem:$0x10100] =	vst v63  }
0x1be: {  	v3 =	vld [tilespmem:$0x20];
	_ =	sdelay $0x4  }
0x1bf: {  	v34 =	vshll.u32 v3, $0x1  }
0x1c0: {  	v3 =	vand.u32 $0x7, v3;
	v4 =	vand.u32 $0xFFFFFFF0, v34  }
0x1c1: {  	v3 =	vor.u32 v3, v4  }
0x1c2: {  	v4 =	vperm.xlane v3, v0;
	_ =	sdelay $0x1  }
0x1c3: {  	v3 =	vperm.xlane v3, v2;
	v4 =	vadd.s32 v1, v4;
	_ =	sdelay $0x1  }
0x1c4: {  	v3 =	vadd.s32 v1, v3;
	_ =	sdelay $0x2  }
0x1c5: {  	[tilespmem:s7], [sflag:$0x1] =	stream.indirect_vreg.gather [hbm4b:s1+s4], $0x80, v4, vm0, $0xb8;
	[tilespmem:$0x10100] =	vst v63  }
0x1c6: {  	s21 =	simm.s32 $0x2900  }
0x1c7: {  	[tilespmem:s21], [sflag:$0x1] =	stream.indirect_vreg.gather [hbm4b:s1+s4], $0x80, v3, vm0, $0xb8;
	[tilespmem:$0x10100] =	vst v63  }
0x1c8: {  	v3 =	vld [tilespmem:$0x30];
	_ =	sdelay $0x4  }
0x1c9: {  	v35 =	vshll.u32 v3, $0x1  }
0x1ca: {  	v3 =	vand.u32 $0x7, v3;
	v4 =	vand.u32 $0xFFFFFFF0, v35  }
0x1cb: {  	v3 =	vor.u32 v3, v4  }
0x1cc: {  	v4 =	vperm.xlane v3, v0;
	_ =	sdelay $0x1  }
0x1cd: {  	v3 =	vperm.xlane v3, v2;
	v4 =	vadd.s32 v1, v4;
	_ =	sdelay $0x1  }
0x1ce: {  	v3 =	vadd.s32 v1, v3;
	_ =	sdelay $0x1  }
0x1cf: {  	s17 =	simm.s32 $0x3100  }
0x1d0: {  	[tilespmem:s17], [sflag:$0x1] =	stream.indirect_vreg.gather [hbm4b:s1+s4], $0x80, v4, vm0, $0xb8;
	[tilespmem:$0x10100] =	vst v63  }
0x1d1: {  	_ = 	snop  }
0x1d2: {  	[tilespmem:s28], [sflag:$0x1] =	stream.indirect_vreg.gather [hbm4b:s1+s4], $0x80, v3, vm0, $0xb8;
	[tilespmem:$0x10100] =	vst v63  }
0x1d3: {  	v3 =	vld [tilespmem:$0x40];
	_ =	sdelay $0x4  }
0x1d4: {  	v36 =	vshll.u32 v3, $0x1  }
0x1d5: {  	v3 =	vand.u32 $0x7, v3;
	v4 =	vand.u32 $0xFFFFFFF0, v36  }
0x1d6: {  	v3 =	vor.u32 v3, v4  }
0x1d7: {  	v4 =	vperm.xlane v3, v0;
	_ =	sdelay $0x1  }
0x1d8: {  	v3 =	vperm.xlane v3, v2;
	v4 =	vadd.s32 v1, v4;
	_ =	sdelay $0x1  }
0x1d9: {  	v3 =	vadd.s32 v1, v3;
	_ =	sdelay $0x1  }
0x1da: {  	s19 =	simm.s32 $0x4100  }
0x1db: {  	[tilespmem:s19], [sflag:$0x1] =	stream.indirect_vreg.gather [hbm4b:s1+s4], $0x80, v4, vm0, $0xb8;
	[tilespmem:$0x10100] =	vst v63  }
0x1dc: {  	s28 =	simm.s32 $0x4900  }
0x1dd: {  	[tilespmem:s28], [sflag:$0x1] =	stream.indirect_vreg.gather [hbm4b:s1+s4], $0x80, v3, vm0, $0xb8;
	[tilespmem:$0x10100] =	vst v63  }
0x1de: {  	v3 =	vld [tilespmem:$0x50];
	_ =	sdelay $0x4  }
0x1df: {  	v37 =	vshll.u32 v3, $0x1  }
0x1e0: {  	v3 =	vand.u32 $0x7, v3;
	v4 =	vand.u32 $0xFFFFFFF0, v37  }
0x1e1: {  	v3 =	vor.u32 v3, v4  }
0x1e2: {  	v4 =	vperm.xlane v3, v0;
	_ =	sdelay $0x1  }
0x1e3: {  	v3 =	vperm.xlane v3, v2;
	v4 =	vadd.s32 v1, v4;
	_ =	sdelay $0x1  }
0x1e4: {  	v3 =	vadd.s32 v1, v3;
	_ =	sdelay $0x2  }
0x1e5: {  	[tilespmem:s11], [sflag:$0x1] =	stream.indirect_vreg.gather [hbm4b:s1+s4], $0x80, v4, vm0, $0xb8;
	[tilespmem:$0x10100] =	vst v63  }
0x1e6: {  	_ = 	snop  }
0x1e7: {  	[tilespmem:s12], [sflag:$0x1] =	stream.indirect_vreg.gather [hbm4b:s1+s4], $0x80, v3, vm0, $0xb8;
	[tilespmem:$0x10100] =	vst v63  }
0x1e8: {  	v3 =	vld [tilespmem:$0x60];
	_ =	sdelay $0x4  }
0x1e9: {  	v38 =	vshll.u32 v3, $0x1  }
0x1ea: {  	v3 =	vand.u32 $0x7, v3;
	v4 =	vand.u32 $0xFFFFFFF0, v38  }
0x1eb: {  	v3 =	vor.u32 v3, v4  }
0x1ec: {  	v4 =	vperm.xlane v3, v0;
	_ =	sdelay $0x1  }
0x1ed: {  	v3 =	vperm.xlane v3, v2;
	v4 =	vadd.s32 v1, v4;
	_ =	sdelay $0x1  }
0x1ee: {  	v3 =	vadd.s32 v1, v3;
	_ =	sdelay $0x2  }
0x1ef: {  	[tilespmem:s13], [sflag:$0x1] =	stream.indirect_vreg.gather [hbm4b:s1+s4], $0x80, v4, vm0, $0xb8;
	[tilespmem:$0x10100] =	vst v63  }
0x1f0: {  	_ = 	snop  }
0x1f1: {  	[tilespmem:s8], [sflag:$0x1] =	stream.indirect_vreg.gather [hbm4b:s1+s4], $0x80, v3, vm0, $0xb8;
	[tilespmem:$0x10100] =	vst v63  }
0x1f2: {  	v3 =	vld [tilespmem:$0x70];
	_ =	sdelay $0x4  }
0x1f3: {  	v39 =	vshll.u32 v3, $0x1  }
0x1f4: {  	v3 =	vand.u32 $0x7, v3;
	v4 =	vand.u32 $0xFFFFFFF0, v39  }
0x1f5: {  	v3 =	vor.u32 v3, v4  }
0x1f6: {  	v4 =	vperm.xlane v3, v0;
	_ =	sdelay $0x1  }
0x1f7: {  	v3 =	vperm.xlane v3, v2;
	v4 =	vadd.s32 v1, v4;
	_ =	sdelay $0x1  }
0x1f8: {  	v3 =	vadd.s32 v1, v3;
	_ =	sdelay $0x2  }
0x1f9: {  	[tilespmem:s0], [sflag:$0x1] =	stream.indirect_vreg.gather [hbm4b:s1+s4], $0x80, v4, vm0, $0xb8;
	[tilespmem:$0x10100] =	vst v63  }
0x1fa: {  	_ = 	snop  }
0x1fb: {  	[tilespmem:s9], [sflag:$0x1] =	stream.indirect_vreg.gather [hbm4b:s1+s4], $0x80, v3, vm0, $0xb8;
	[tilespmem:$0x10100] =	vst v63  }
0x1fc: {  	v3 =	vld [tilespmem:$0x80];
	_ =	sdelay $0x4  }
0x1fd: {  	v40 =	vshll.u32 v3, $0x1  }
0x1fe: {  	v3 =	vand.u32 $0x7, v3;
	v4 =	vand.u32 $0xFFFFFFF0, v40  }
0x1ff: {  	v3 =	vor.u32 v3, v4  }
0x200: {  	v4 =	vperm.xlane v3, v0;
	_ =	sdelay $0x1  }
0x201: {  	v3 =	vperm.xlane v3, v2;
	v4 =	vadd.s32 v1, v4;
	_ =	sdelay $0x1  }
0x202: {  	v3 =	vadd.s32 v1, v3;
	_ =	sdelay $0x2  }
0x203: {  	[tilespmem:s24], [sflag:$0x1] =	stream.indirect_vreg.gather [hbm4b:s3+s4], $0x80, v4, vm0, $0xb8;
	[tilespmem:$0x10100] =	vst v63  }
0x204: {  	_ = 	snop  }
0x205: {  	[tilespmem:s10], [sflag:$0x1] =	stream.indirect_vreg.gather [hbm4b:s3+s4], $0x80, v3, vm0, $0xb8;
	[tilespmem:$0x10100] =	vst v63  }
0x206: {  	v3 =	vld [tilespmem:$0x90];
	_ =	sdelay $0x4  }
0x207: {  	v41 =	vshll.u32 v3, $0x1  }
0x208: {  	v3 =	vand.u32 $0x7, v3;
	v4 =	vand.u32 $0xFFFFFFF0, v41  }
0x209: {  	v3 =	vor.u32 v3, v4  }
0x20a: {  	v4 =	vperm.xlane v3, v0;
	_ =	sdelay $0x1  }
0x20b: {  	v3 =	vperm.xlane v3, v2;
	v4 =	vadd.s32 v1, v4;
	_ =	sdelay $0x1  }
0x20c: {  	v3 =	vadd.s32 v1, v3;
	_ =	sdelay $0x1  }
0x20d: {  	s25 =	simm.s32 $0x9100  }
0x20e: {  	[tilespmem:s25], [sflag:$0x1] =	stream.indirect_vreg.gather [hbm4b:s3+s4], $0x80, v4, vm0, $0xb8;
	[tilespmem:$0x10100] =	vst v63  }
0x20f: {  	_ = 	snop  }
0x210: {  	[tilespmem:s20], [sflag:$0x1] =	stream.indirect_vreg.gather [hbm4b:s3+s4], $0x80, v3, vm0, $0xb8;
	[tilespmem:$0x10100] =	vst v63  }
0x211: {  	v3 =	vld [tilespmem:$0xA0];
	_ =	sdelay $0x4  }
0x212: {  	v42 =	vshll.u32 v3, $0x1  }
0x213: {  	v3 =	vand.u32 $0x7, v3;
	v4 =	vand.u32 $0xFFFFFFF0, v42  }
0x214: {  	v3 =	vor.u32 v3, v4  }
0x215: {  	v4 =	vperm.xlane v3, v0;
	_ =	sdelay $0x1  }
0x216: {  	v3 =	vperm.xlane v3, v2;
	v4 =	vadd.s32 v1, v4;
	_ =	sdelay $0x1  }
0x217: {  	v3 =	vadd.s32 v1, v3;
	_ =	sdelay $0x1  }
0x218: {  	s30 =	simm.s32 $0xA100  }
0x219: {  	[tilespmem:s30], [sflag:$0x1] =	stream.indirect_vreg.gather [hbm4b:s3+s4], $0x80, v4, vm0, $0xb8;
	[tilespmem:$0x10100] =	vst v63  }
0x21a: {  	_ = 	snop  }
0x21b: {  	[tilespmem:s23], [sflag:$0x1] =	stream.indirect_vreg.gather [hbm4b:s3+s4], $0x80, v3, vm0, $0xb8;
	[tilespmem:$0x10100] =	vst v63  }
0x21c: {  	v3 =	vld [tilespmem:$0xB0];
	_ =	sdelay $0x4  }
0x21d: {  	v43 =	vshll.u32 v3, $0x1  }
0x21e: {  	v3 =	vand.u32 $0x7, v3;
	v4 =	vand.u32 $0xFFFFFFF0, v43  }
0x21f: {  	v3 =	vor.u32 v3, v4  }
0x220: {  	v4 =	vperm.xlane v3, v0;
	_ =	sdelay $0x1  }
0x221: {  	v3 =	vperm.xlane v3, v2;
	v4 =	vadd.s32 v1, v4;
	_ =	sdelay $0x1  }
0x222: {  	v3 =	vadd.s32 v1, v3;
	_ =	sdelay $0x1  }
0x223: {  	s0 =	simm.s32 $0xB100  }
0x224: {  	[tilespmem:s0], [sflag:$0x1] =	stream.indirect_vreg.gather [hbm4b:s3+s4], $0x80, v4, vm0, $0xb8;
	[tilespmem:$0x10100] =	vst v63  }
0x225: {  	s26 =	simm.s32 $0xB900  }
0x226: {  	[tilespmem:s26], [sflag:$0x1] =	stream.indirect_vreg.gather [hbm4b:s3+s4], $0x80, v3, vm0, $0xb8;
	[tilespmem:$0x10100] =	vst v63  }
0x227: {  	v3 =	vld [tilespmem:$0xC0];
	_ =	sdelay $0x4  }
0x228: {  	v44 =	vshll.u32 v3, $0x1  }
0x229: {  	v3 =	vand.u32 $0x7, v3;
	v4 =	vand.u32 $0xFFFFFFF0, v44  }
0x22a: {  	v3 =	vor.u32 v3, v4  }
0x22b: {  	v4 =	vperm.xlane v3, v0;
	_ =	sdelay $0x1  }
0x22c: {  	v3 =	vperm.xlane v3, v2;
	v4 =	vadd.s32 v1, v4;
	_ =	sdelay $0x1  }
0x22d: {  	v3 =	vadd.s32 v1, v3;
	_ =	sdelay $0x1  }
0x22e: {  	s18 =	simm.s32 $0xC100  }
0x22f: {  	[tilespmem:s18], [sflag:$0x1] =	stream.indirect_vreg.gather [hbm4b:s3+s4], $0x80, v4, vm0, $0xb8;
	[tilespmem:$0x10100] =	vst v63  }
0x230: {  	s18 =	simm.s32 $0xC900  }
0x231: {  	[tilespmem:s18], [sflag:$0x1] =	stream.indirect_vreg.gather [hbm4b:s3+s4], $0x80, v3, vm0, $0xb8;
	[tilespmem:$0x10100] =	vst v63  }
0x232: {  	v3 =	vld [tilespmem:$0xD0];
	_ =	sdelay $0x4  }
0x233: {  	v45 =	vshll.u32 v3, $0x1  }
0x234: {  	v3 =	vand.u32 $0x7, v3;
	v4 =	vand.u32 $0xFFFFFFF0, v45  }
0x235: {  	v3 =	vor.u32 v3, v4  }
0x236: {  	v4 =	vperm.xlane v3, v0;
	_ =	sdelay $0x1  }
0x237: {  	v3 =	vperm.xlane v3, v2;
	v4 =	vadd.s32 v1, v4;
	_ =	sdelay $0x1  }
0x238: {  	v3 =	vadd.s32 v1, v3;
	_ =	sdelay $0x1  }
0x239: {  	s22 =	simm.s32 $0xD100  }
0x23a: {  	[tilespmem:s22], [sflag:$0x1] =	stream.indirect_vreg.gather [hbm4b:s3+s4], $0x80, v4, vm0, $0xb8;
	[tilespmem:$0x10100] =	vst v63  }
0x23b: {  	s26 =	simm.s32 $0xD900  }
0x23c: {  	[tilespmem:s26], [sflag:$0x1] =	stream.indirect_vreg.gather [hbm4b:s3+s4], $0x80, v3, vm0, $0xb8;
	[tilespmem:$0x10100] =	vst v63  }
0x23d: {  	v3 =	vld [tilespmem:$0xE0];
	_ =	sdelay $0x4  }
0x23e: {  	v46 =	vshll.u32 v3, $0x1  }
0x23f: {  	v3 =	vand.u32 $0x7, v3;
	v4 =	vand.u32 $0xFFFFFFF0, v46  }
0x240: {  	v3 =	vor.u32 v3, v4  }
0x241: {  	v4 =	vperm.xlane v3, v0;
	_ =	sdelay $0x1  }
0x242: {  	v3 =	vperm.xlane v3, v2;
	v4 =	vadd.s32 v1, v4;
	_ =	sdelay $0x1  }
0x243: {  	v3 =	vadd.s32 v1, v3;
	_ =	sdelay $0x1  }
0x244: {  	s31 =	simm.s32 $0xE100  }
0x245: {  	[tilespmem:s31], [sflag:$0x1] =	stream.indirect_vreg.gather [hbm4b:s3+s4], $0x80, v4, vm0, $0xb8;
	[tilespmem:$0x10100] =	vst v63  }
0x246: {  	s0 =	simm.s32 $0xE900  }
0x247: {  	[tilespmem:s0], [sflag:$0x1] =	stream.indirect_vreg.gather [hbm4b:s3+s4], $0x80, v3, vm0, $0xb8;
	[tilespmem:$0x10100] =	vst v63  }
0x248: {  	v3 =	vld [tilespmem:$0xF0];
	_ =	sdelay $0x4  }
0x249: {  	v47 =	vshll.u32 v3, $0x1  }
0x24a: {  	v3 =	vand.u32 $0x7, v3;
	v4 =	vand.u32 $0xFFFFFFF0, v47  }
0x24b: {  	v3 =	vor.u32 v3, v4  }
0x24c: {  	v4 =	vperm.xlane v3, v0;
	_ =	sdelay $0x1  }
0x24d: {  	v3 =	vperm.xlane v3, v2;
	v4 =	vadd.s32 v1, v4;
	_ =	sdelay $0x1  }
0x24e: {  	v3 =	vadd.s32 v1, v3;
	_ =	sdelay $0x1  }
0x24f: {  	s14 =	simm.s32 $0xF100  }
0x250: {  	[tilespmem:s14], [sflag:$0x1] =	stream.indirect_vreg.gather [hbm4b:s3+s4], $0x80, v4, vm0, $0xb8;
	[tilespmem:$0x10100] =	vst v63  }
0x251: {  	s16 =	simm.s32 $0xF900  }
0x252: {  	[tilespmem:s16], [sflag:$0x1] =	stream.indirect_vreg.gather [hbm4b:s3+s4], $0x80, v3, vm0, $0xb8;
	[tilespmem:$0x10100] =	vst v63  }
0x253: {  	_ =	swait.ge [sflag:s15], $0x8000  }
0x254: {  	[sflag:s15] =	ssyncset.done $0x0  }
0x255: {  	[sflag:s15] =	ssyncadd.s32 $0xFFFF8000  }
0x256: {  	_ =	swait.ge [sflag:s15], $0x8000  }
0x257: {  	[sflag:s15] =	ssyncset.done $0x0  }
0x258: {  	s0 =	rddreg [dreg:$0x10];
	[sflag:s15] =	ssyncadd.s32 $0xFFFF8000  }
0x259: {  	[hbm4b:s0+s4] =	stream.linear.scatter [tilespmem:s29], [sflag:$0x2], $0x8000, $0x38;
	[tilespmem:$0x10100] =	vst v63  }
0x25a: {  	_ =	swait.ge [sflag:s6], $0x8000  }
0x25b: {  	[sflag:s6] =	ssyncset.done $0x0  }
0x25c: {  	s0 =	rddreg [dreg:$0x11];
	[sflag:s6] =	ssyncadd.s32 $0xFFFF8000  }
0x25d: {  	[hbm4b:s0+s4] =	stream.linear.scatter [tilespmem:s24], [sflag:$0x2], $0x8000, $0x38;
	[tilespmem:$0x10100] =	vst v63  }
0x25e: {  	_ =	swait.ge [sflag:s6], $0x8000  }
0x25f: {  	[sflag:s6] =	ssyncset.done $0x0  }
0x260: {  	s0 =	rddreg [dreg:$0x12];
	[sflag:s6] =	ssyncadd.s32 $0xFFFF8000  }
0x261: {  	[tilespmem:s4], [sflag:$0x2] =	stream.linear.gather [hbm4b:s0+s4], $0x80, $0x38;
	[tilespmem:$0x10100] =	vst v63  }
0x262: {  	_ =	swait.ge [sflag:s6], $0x80  }
0x263: {  	[sflag:s6] =	ssyncset.done $0x0  }
0x264: {  	s0 =	simm.s32 $0x80;
	s16 =	rddreg [dreg:$0x13];
	[sflag:s6] =	ssyncadd.s32 $0xFFFFFF80  }
0x265: {  	[tilespmem:s0], [sflag:$0x2] =	stream.linear.gather [hbm4b:s16+s4], $0x80, $0x38;
	[tilespmem:$0x10100] =	vst v63  }
0x266: {  	_ =	swait.ge [sflag:s6], $0x80  }
0x267: {  	[sflag:s6] =	ssyncset.done $0x0  }
0x268: {  	[sflag:s6] =	ssyncadd.s32 $0xFFFFFF80  }
0x269: {  	v3 =	vld [tilespmem:$0x0];
	_ =	sdelay $0x4  }
0x26a: {  	v48 =	vshll.u32 v3, $0x1  }
0x26b: {  	v3 =	vand.u32 $0x7, v3;
	v4 =	vand.u32 $0xFFFFFFF0, v48  }
0x26c: {  	v3 =	vor.u32 v3, v4  }
0x26d: {  	v4 =	vperm.xlane v3, v0;
	_ =	sdelay $0x1  }
0x26e: {  	v3 =	vperm.xlane v3, v2;
	v4 =	vadd.s32 v1, v4;
	_ =	sdelay $0x1  }
0x26f: {  	v3 =	vadd.s32 v1, v3;
	_ =	sdelay $0x2  }
0x270: {  	[tilespmem:s29], [sflag:$0x1] =	stream.indirect_vreg.gather [hbm4b:s1+s4], $0x80, v4, vm0, $0xb8;
	[tilespmem:$0x10100] =	vst v63  }
0x271: {  	s16 =	simm.s32 $0x900  }
0x272: {  	[tilespmem:s16], [sflag:$0x1] =	stream.indirect_vreg.gather [hbm4b:s1+s4], $0x80, v3, vm0, $0xb8;
	[tilespmem:$0x10100] =	vst v63  }
0x273: {  	v3 =	vld [tilespmem:$0x10];
	_ =	sdelay $0x4  }
0x274: {  	v49 =	vshll.u32 v3, $0x1  }
0x275: {  	v3 =	vand.u32 $0x7, v3;
	v4 =	vand.u32 $0xFFFFFFF0, v49  }
0x276: {  	v3 =	vor.u32 v3, v4  }
0x277: {  	v4 =	vperm.xlane v3, v0;
	_ =	sdelay $0x1  }
0x278: {  	v3 =	vperm.xlane v3, v2;
	v4 =	vadd.s32 v1, v4;
	_ =	sdelay $0x1  }
0x279: {  	v3 =	vadd.s32 v1, v3;
	_ =	sdelay $0x1  }
0x27a: {  	s2 =	simm.s32 $0x1100  }
0x27b: {  	[tilespmem:s2], [sflag:$0x1] =	stream.indirect_vreg.gather [hbm4b:s1+s4], $0x80, v4, vm0, $0xb8;
	[tilespmem:$0x10100] =	vst v63  }
0x27c: {  	s2 =	simm.s32 $0x1900  }
0x27d: {  	[tilespmem:s2], [sflag:$0x1] =	stream.indirect_vreg.gather [hbm4b:s1+s4], $0x80, v3, vm0, $0xb8;
	[tilespmem:$0x10100] =	vst v63  }
0x27e: {  	v3 =	vld [tilespmem:$0x20];
	_ =	sdelay $0x4  }
0x27f: {  	v50 =	vshll.u32 v3, $0x1  }
0x280: {  	v3 =	vand.u32 $0x7, v3;
	v4 =	vand.u32 $0xFFFFFFF0, v50  }
0x281: {  	v3 =	vor.u32 v3, v4  }
0x282: {  	v4 =	vperm.xlane v3, v0;
	_ =	sdelay $0x1  }
0x283: {  	v3 =	vperm.xlane v3, v2;
	v4 =	vadd.s32 v1, v4;
	_ =	sdelay $0x1  }
0x284: {  	v3 =	vadd.s32 v1, v3;
	_ =	sdelay $0x1  }
0x285: {  	s7 =	simm.s32 $0x2100  }
0x286: {  	[tilespmem:s7], [sflag:$0x1] =	stream.indirect_vreg.gather [hbm4b:s1+s4], $0x80, v4, vm0, $0xb8;
	[tilespmem:$0x10100] =	vst v63  }
0x287: {  	s16 =	simm.s32 $0x2900  }
0x288: {  	[tilespmem:s16], [sflag:$0x1] =	stream.indirect_vreg.gather [hbm4b:s1+s4], $0x80, v3, vm0, $0xb8;
	[tilespmem:$0x10100] =	vst v63  }
0x289: {  	v3 =	vld [tilespmem:$0x30];
	_ =	sdelay $0x4  }
0x28a: {  	v51 =	vshll.u32 v3, $0x1  }
0x28b: {  	v3 =	vand.u32 $0x7, v3;
	v4 =	vand.u32 $0xFFFFFFF0, v51  }
0x28c: {  	v3 =	vor.u32 v3, v4  }
0x28d: {  	v4 =	vperm.xlane v3, v0;
	_ =	sdelay $0x1  }
0x28e: {  	v3 =	vperm.xlane v3, v2;
	v4 =	vadd.s32 v1, v4;
	_ =	sdelay $0x1  }
0x28f: {  	v3 =	vadd.s32 v1, v3;
	_ =	sdelay $0x1  }
0x290: {  	s0 =	simm.s32 $0x3100  }
0x291: {  	[tilespmem:s0], [sflag:$0x1] =	stream.indirect_vreg.gather [hbm4b:s1+s4], $0x80, v4, vm0, $0xb8;
	[tilespmem:$0x10100] =	vst v63  }
0x292: {  	s21 =	simm.s32 $0x3900  }
0x293: {  	[tilespmem:s21], [sflag:$0x1] =	stream.indirect_vreg.gather [hbm4b:s1+s4], $0x80, v3, vm0, $0xb8;
	[tilespmem:$0x10100] =	vst v63  }
0x294: {  	v3 =	vld [tilespmem:$0x40];
	_ =	sdelay $0x4  }
0x295: {  	v52 =	vshll.u32 v3, $0x1  }
0x296: {  	v3 =	vand.u32 $0x7, v3;
	v4 =	vand.u32 $0xFFFFFFF0, v52  }
0x297: {  	v3 =	vor.u32 v3, v4  }
0x298: {  	v4 =	vperm.xlane v3, v0;
	_ =	sdelay $0x1  }
0x299: {  	v3 =	vperm.xlane v3, v2;
	v4 =	vadd.s32 v1, v4;
	_ =	sdelay $0x1  }
0x29a: {  	v3 =	vadd.s32 v1, v3;
	_ =	sdelay $0x1  }
0x29b: {  	s7 =	simm.s32 $0x4100  }
0x29c: {  	[tilespmem:s7], [sflag:$0x1] =	stream.indirect_vreg.gather [hbm4b:s1+s4], $0x80, v4, vm0, $0xb8;
	[tilespmem:$0x10100] =	vst v63  }
0x29d: {  	s16 =	simm.s32 $0x4900  }
0x29e: {  	[tilespmem:s16], [sflag:$0x1] =	stream.indirect_vreg.gather [hbm4b:s1+s4], $0x80, v3, vm0, $0xb8;
	[tilespmem:$0x10100] =	vst v63  }
0x29f: {  	v3 =	vld [tilespmem:$0x50];
	_ =	sdelay $0x4  }
0x2a0: {  	v53 =	vshll.u32 v3, $0x1  }
0x2a1: {  	v3 =	vand.u32 $0x7, v3;
	v4 =	vand.u32 $0xFFFFFFF0, v53  }
0x2a2: {  	v3 =	vor.u32 v3, v4  }
0x2a3: {  	v4 =	vperm.xlane v3, v0;
	_ =	sdelay $0x1  }
0x2a4: {  	v3 =	vperm.xlane v3, v2;
	v4 =	vadd.s32 v1, v4;
	_ =	sdelay $0x1  }
0x2a5: {  	v3 =	vadd.s32 v1, v3;
	_ =	sdelay $0x1  }
0x2a6: {  	s11 =	simm.s32 $0x5100  }
0x2a7: {  	[tilespmem:s11], [sflag:$0x1] =	stream.indirect_vreg.gather [hbm4b:s1+s4], $0x80, v4, vm0, $0xb8;
	[tilespmem:$0x10100] =	vst v63  }
0x2a8: {  	s12 =	simm.s32 $0x5900  }
0x2a9: {  	[tilespmem:s12], [sflag:$0x1] =	stream.indirect_vreg.gather [hbm4b:s1+s4], $0x80, v3, vm0, $0xb8;
	[tilespmem:$0x10100] =	vst v63  }
0x2aa: {  	v3 =	vld [tilespmem:$0x60];
	_ =	sdelay $0x4  }
0x2ab: {  	v54 =	vshll.u32 v3, $0x1  }
0x2ac: {  	v3 =	vand.u32 $0x7, v3;
	v4 =	vand.u32 $0xFFFFFFF0, v54  }
0x2ad: {  	v3 =	vor.u32 v3, v4  }
0x2ae: {  	v4 =	vperm.xlane v3, v0;
	_ =	sdelay $0x1  }
0x2af: {  	v3 =	vperm.xlane v3, v2;
	v4 =	vadd.s32 v1, v4;
	_ =	sdelay $0x1  }
0x2b0: {  	v3 =	vadd.s32 v1, v3;
	_ =	sdelay $0x1  }
0x2b1: {  	s13 =	simm.s32 $0x6100  }
0x2b2: {  	[tilespmem:s13], [sflag:$0x1] =	stream.indirect_vreg.gather [hbm4b:s1+s4], $0x80, v4, vm0, $0xb8;
	[tilespmem:$0x10100] =	vst v63  }
0x2b3: {  	s8 =	simm.s32 $0x6900  }
0x2b4: {  	[tilespmem:s8], [sflag:$0x1] =	stream.indirect_vreg.gather [hbm4b:s1+s4], $0x80, v3, vm0, $0xb8;
	[tilespmem:$0x10100] =	vst v63  }
0x2b5: {  	v3 =	vld [tilespmem:$0x70];
	_ =	sdelay $0x4  }
0x2b6: {  	v55 =	vshll.u32 v3, $0x1  }
0x2b7: {  	v3 =	vand.u32 $0x7, v3;
	v4 =	vand.u32 $0xFFFFFFF0, v55  }
0x2b8: {  	v3 =	vor.u32 v3, v4  }
0x2b9: {  	v4 =	vperm.xlane v3, v0;
	_ =	sdelay $0x1  }
0x2ba: {  	v3 =	vperm.xlane v3, v2;
	v4 =	vadd.s32 v1, v4;
	_ =	sdelay $0x1  }
0x2bb: {  	v3 =	vadd.s32 v1, v3;
	_ =	sdelay $0x1  }
0x2bc: {  	s21 =	simm.s32 $0x7100  }
0x2bd: {  	[tilespmem:s21], [sflag:$0x1] =	stream.indirect_vreg.gather [hbm4b:s1+s4], $0x80, v4, vm0, $0xb8;
	[tilespmem:$0x10100] =	vst v63  }
0x2be: {  	s9 =	simm.s32 $0x7900  }
0x2bf: {  	[tilespmem:s9], [sflag:$0x1] =	stream.indirect_vreg.gather [hbm4b:s1+s4], $0x80, v3, vm0, $0xb8;
	[tilespmem:$0x10100] =	vst v63  }
0x2c0: {  	v3 =	vld [tilespmem:$0x80];
	_ =	sdelay $0x4  }
0x2c1: {  	v56 =	vshll.u32 v3, $0x1  }
0x2c2: {  	v3 =	vand.u32 $0x7, v3;
	v4 =	vand.u32 $0xFFFFFFF0, v56  }
0x2c3: {  	v3 =	vor.u32 v3, v4  }
0x2c4: {  	v4 =	vperm.xlane v3, v0;
	_ =	sdelay $0x1  }
0x2c5: {  	v3 =	vperm.xlane v3, v2;
	v4 =	vadd.s32 v1, v4;
	_ =	sdelay $0x1  }
0x2c6: {  	v3 =	vadd.s32 v1, v3;
	_ =	sdelay $0x2  }
0x2c7: {  	[tilespmem:s24], [sflag:$0x1] =	stream.indirect_vreg.gather [hbm4b:s3+s4], $0x80, v4, vm0, $0xb8;
	[tilespmem:$0x10100] =	vst v63  }
0x2c8: {  	s10 =	simm.s32 $0x8900  }
0x2c9: {  	[tilespmem:s10], [sflag:$0x1] =	stream.indirect_vreg.gather [hbm4b:s3+s4], $0x80, v3, vm0, $0xb8;
	[tilespmem:$0x10100] =	vst v63  }
0x2ca: {  	v3 =	vld [tilespmem:$0x90];
	_ =	sdelay $0x4  }
0x2cb: {  	v57 =	vshll.u32 v3, $0x1  }
0x2cc: {  	v3 =	vand.u32 $0x7, v3;
	v4 =	vand.u32 $0xFFFFFFF0, v57  }
0x2cd: {  	v3 =	vor.u32 v3, v4  }
0x2ce: {  	v4 =	vperm.xlane v3, v0;
	_ =	sdelay $0x1  }
0x2cf: {  	v3 =	vperm.xlane v3, v2;
	v4 =	vadd.s32 v1, v4;
	_ =	sdelay $0x1  }
0x2d0: {  	v3 =	vadd.s32 v1, v3;
	_ =	sdelay $0x1  }
0x2d1: {  	s28 =	simm.s32 $0x9100  }
0x2d2: {  	[tilespmem:s28], [sflag:$0x1] =	stream.indirect_vreg.gather [hbm4b:s3+s4], $0x80, v4, vm0, $0xb8;
	[tilespmem:$0x10100] =	vst v63  }
0x2d3: {  	s17 =	simm.s32 $0x9900  }
0x2d4: {  	[tilespmem:s17], [sflag:$0x1] =	stream.indirect_vreg.gather [hbm4b:s3+s4], $0x80, v3, vm0, $0xb8;
	[tilespmem:$0x10100] =	vst v63  }
0x2d5: {  	v3 =	vld [tilespmem:$0xA0];
	_ =	sdelay $0x4  }
0x2d6: {  	v58 =	vshll.u32 v3, $0x1  }
0x2d7: {  	v3 =	vand.u32 $0x7, v3;
	v4 =	vand.u32 $0xFFFFFFF0, v58  }
0x2d8: {  	v3 =	vor.u32 v3, v4  }
0x2d9: {  	v4 =	vperm.xlane v3, v0;
	_ =	sdelay $0x1  }
0x2da: {  	v3 =	vperm.xlane v3, v2;
	v4 =	vadd.s32 v1, v4;
	_ =	sdelay $0x1  }
0x2db: {  	v3 =	vadd.s32 v1, v3;
	_ =	sdelay $0x1  }
0x2dc: {  	s25 =	simm.s32 $0xA100  }
0x2dd: {  	[tilespmem:s25], [sflag:$0x1] =	stream.indirect_vreg.gather [hbm4b:s3+s4], $0x80, v4, vm0, $0xb8;
	[tilespmem:$0x10100] =	vst v63  }
0x2de: {  	s20 =	simm.s32 $0xA900  }
0x2df: {  	[tilespmem:s20], [sflag:$0x1] =	stream.indirect_vreg.gather [hbm4b:s3+s4], $0x80, v3, vm0, $0xb8;
	[tilespmem:$0x10100] =	vst v63  }
0x2e0: {  	v3 =	vld [tilespmem:$0xB0];
	_ =	sdelay $0x4  }
0x2e1: {  	v59 =	vshll.u32 v3, $0x1  }
0x2e2: {  	v3 =	vand.u32 $0x7, v3;
	v4 =	vand.u32 $0xFFFFFFF0, v59  }
0x2e3: {  	v3 =	vor.u32 v3, v4  }
0x2e4: {  	v4 =	vperm.xlane v3, v0;
	_ =	sdelay $0x1  }
0x2e5: {  	v3 =	vperm.xlane v3, v2;
	v4 =	vadd.s32 v1, v4;
	_ =	sdelay $0x1  }
0x2e6: {  	v3 =	vadd.s32 v1, v3;
	_ =	sdelay $0x1  }
0x2e7: {  	s25 =	simm.s32 $0xB100  }
0x2e8: {  	[tilespmem:s25], [sflag:$0x1] =	stream.indirect_vreg.gather [hbm4b:s3+s4], $0x80, v4, vm0, $0xb8;
	[tilespmem:$0x10100] =	vst v63  }
0x2e9: {  	s23 =	simm.s32 $0xB900  }
0x2ea: {  	[tilespmem:s23], [sflag:$0x1] =	stream.indirect_vreg.gather [hbm4b:s3+s4], $0x80, v3, vm0, $0xb8;
	[tilespmem:$0x10100] =	vst v63  }
0x2eb: {  	v3 =	vld [tilespmem:$0xC0];
	_ =	sdelay $0x4  }
0x2ec: {  	v60 =	vshll.u32 v3, $0x1  }
0x2ed: {  	v3 =	vand.u32 $0x7, v3;
	v4 =	vand.u32 $0xFFFFFFF0, v60  }
0x2ee: {  	v3 =	vor.u32 v3, v4  }
0x2ef: {  	v4 =	vperm.xlane v3, v0;
	_ =	sdelay $0x1  }
0x2f0: {  	v3 =	vperm.xlane v3, v2;
	v4 =	vadd.s32 v1, v4;
	_ =	sdelay $0x1  }
0x2f1: {  	v3 =	vadd.s32 v1, v3;
	_ =	sdelay $0x1  }
0x2f2: {  	s19 =	simm.s32 $0xC100  }
0x2f3: {  	[tilespmem:s19], [sflag:$0x1] =	stream.indirect_vreg.gather [hbm4b:s3+s4], $0x80, v4, vm0, $0xb8;
	[tilespmem:$0x10100] =	vst v63  }
0x2f4: {  	s30 =	simm.s32 $0xC900  }
0x2f5: {  	[tilespmem:s30], [sflag:$0x1] =	stream.indirect_vreg.gather [hbm4b:s3+s4], $0x80, v3, vm0, $0xb8;
	[tilespmem:$0x10100] =	vst v63  }
0x2f6: {  	v3 =	vld [tilespmem:$0xD0];
	_ =	sdelay $0x4  }
0x2f7: {  	v61 =	vshll.u32 v3, $0x1  }
0x2f8: {  	v3 =	vand.u32 $0x7, v3;
	v4 =	vand.u32 $0xFFFFFFF0, v61  }
0x2f9: {  	v3 =	vor.u32 v3, v4  }
0x2fa: {  	v4 =	vperm.xlane v3, v0;
	_ =	sdelay $0x1  }
0x2fb: {  	v3 =	vperm.xlane v3, v2;
	v4 =	vadd.s32 v1, v4;
	_ =	sdelay $0x1  }
0x2fc: {  	v3 =	vadd.s32 v1, v3;
	_ =	sdelay $0x1  }
0x2fd: {  	s18 =	simm.s32 $0xD100  }
0x2fe: {  	[tilespmem:s18], [sflag:$0x1] =	stream.indirect_vreg.gather [hbm4b:s3+s4], $0x80, v4, vm0, $0xb8;
	[tilespmem:$0x10100] =	vst v63  }
0x2ff: {  	s28 =	simm.s32 $0xD900  }
0x300: {  	[tilespmem:s28], [sflag:$0x1] =	stream.indirect_vreg.gather [hbm4b:s3+s4], $0x80, v3, vm0, $0xb8;
	[tilespmem:$0x10100] =	vst v63  }
0x301: {  	v3 =	vld [tilespmem:$0xE0];
	_ =	sdelay $0x4  }
0x302: {  	v62 =	vshll.u32 v3, $0x1  }
0x303: {  	v3 =	vand.u32 $0x7, v3;
	v4 =	vand.u32 $0xFFFFFFF0, v62  }
0x304: {  	v3 =	vor.u32 v3, v4  }
0x305: {  	v4 =	vperm.xlane v3, v0;
	_ =	sdelay $0x1  }
0x306: {  	v3 =	vperm.xlane v3, v2;
	v4 =	vadd.s32 v1, v4;
	_ =	sdelay $0x1  }
0x307: {  	v3 =	vadd.s32 v1, v3;
	_ =	sdelay $0x1  }
0x308: {  	s26 =	simm.s32 $0xE100  }
0x309: {  	[tilespmem:s26], [sflag:$0x1] =	stream.indirect_vreg.gather [hbm4b:s3+s4], $0x80, v4, vm0, $0xb8;
	[tilespmem:$0x10100] =	vst v63  }
0x30a: {  	s31 =	simm.s32 $0xE900  }
0x30b: {  	[tilespmem:s31], [sflag:$0x1] =	stream.indirect_vreg.gather [hbm4b:s3+s4], $0x80, v3, vm0, $0xb8;
	[tilespmem:$0x10100] =	vst v63  }
0x30c: {  	v3 =	vld [tilespmem:$0xF0];
	_ =	sdelay $0x4  }
0x30d: {  	v63 =	vshll.u32 v3, $0x1  }
0x30e: {  	v3 =	vand.u32 $0x7, v3;
	v4 =	vand.u32 $0xFFFFFFF0, v63  }
0x30f: {  	v3 =	vor.u32 v3, v4  }
0x310: {  	v4 =	vperm.xlane v3, v0;
	_ =	sdelay $0x1  }
0x311: {  	v3 =	vperm.xlane v3, v2;
	v4 =	vadd.s32 v1, v4;
	_ =	sdelay $0x1  }
0x312: {  	v3 =	vadd.s32 v1, v3;
	_ =	sdelay $0x1  }
0x313: {  	s22 =	simm.s32 $0xF100  }
0x314: {  	[tilespmem:s22], [sflag:$0x1] =	stream.indirect_vreg.gather [hbm4b:s3+s4], $0x80, v4, vm0, $0xb8;
	[tilespmem:$0x10100] =	vst v63  }
0x315: {  	s14 =	simm.s32 $0xF900  }
0x316: {  	[tilespmem:s14], [sflag:$0x1] =	stream.indirect_vreg.gather [hbm4b:s3+s4], $0x80, v3, vm0, $0xb8;
	[tilespmem:$0x10100] =	vst v63  }
0x317: {  	_ =	swait.ge [sflag:s15], $0x8000  }
0x318: {  	[sflag:s15] =	ssyncset.done $0x0  }
0x319: {  	[sflag:s15] =	ssyncadd.s32 $0xFFFF8000  }
0x31a: {  	_ =	swait.ge [sflag:s15], $0x8000  }
0x31b: {  	[sflag:s15] =	ssyncset.done $0x0  }
0x31c: {  	s30 =	rddreg [dreg:$0x14];
	[sflag:s15] =	ssyncadd.s32 $0xFFFF8000  }
0x31d: {  	[hbm4b:s30+s4] =	stream.linear.scatter [tilespmem:s29], [sflag:$0x2], $0x8000, $0x38;
	[tilespmem:$0x10100] =	vst v63  }
0x31e: {  	_ =	swait.ge [sflag:s6], $0x8000  }
0x31f: {  	p0 =	sne.s32 s5, $0x1;
	[sflag:s6] =	ssyncset.done $0x0  }
.Ltmp0:
0x320: {  	s31 =	rddreg [dreg:$0x15];
	[sflag:s6] =	ssyncadd.s32 $0xFFFF8000;
	(pc) =	sbr.rel @p0 .LBB2_1-.Ltmp0, $4  }
0x321: {  	[hbm4b:s31+s4] =	stream.linear.scatter [tilespmem:s24], [sflag:$0x2], $0x8000, $0x38;
	[tilespmem:$0x10100] =	vst v63  }
0x322: {  	_ =	swait.ge [sflag:s6], $0x8000  }
0x323: {  	[sflag:s6] =	ssyncset.done $0x0  }
0x324: {  	s5 =	sadd.s32 $0xFFFFFFFF, s5;
	[sflag:s6] =	ssyncadd.s32 $0xFFFF8000  }
0x325: {  	_ =	sfence.sel $0x180000  }
0x326: {  	[bflag:$0x0] =	sbarrier.arrive $0xFFFF  }
0x327: {  	_ =	strace $0x90000047  }
0x328: {  	s0 =	stileid.u32;
	[bflag:$0x2] =	sbarrier.arrive $0xFFFF  }
0x329: {  	p0 =	sne.s32 s0, $0x0;
	s0 =	rddreg [dreg:$0x5]  }
0x32a: {  	s0 =	sadd.s32 @!p0 $0x100000, s0  }
0x32b: {  	[sflag:s0] =	ssyncadd.tile.s32 @!p0 $0x1;
	_ =	shalt  }
.Lfunc_end2:
_tile_overlayer_lowered:
.L_overlay_start_2:
0x32c: {  	(tag) =	ssettag $0x2  }
0x32d: {  	s0 =	rddreg [dreg:$0x0];
	s2 =	stileid.u32  }
0x32e: {  	s1 =	rddreg [dreg:$0x1];
	p0 =	sne.s32 s2, $0x0  }
0x32f: {  	s3 =	rddreg [dreg:$0x2];
	[bflag:$0x3] =	sbarrier.arrive $0xFFFF;
	s2 =	simm.s32 @!p0 $0x1C02  }
0x330: {  	[timem:s3], [sflag:s2] =	dma.local @!p0 [hbm:s0], s1  }
0x331: {  	s0 =	simm.s32 @!p0 $0x2  }
0x332: {  	_ =	swait.ge @!p0 [sflag:s0], s1  }
0x333: {  	s1 =	ssub.s32 @!p0 $0x0, s1;
	[sflag:s0] =	ssyncset.done @!p0 $0x0  }
0x334: {  	[sflag:s0] =	ssyncadd.s32 @!p0 s1  }
0x335: {  	[bflag:$0x3] =	sbarrier.arrive $0xFFFF  }
0x336: {  	_ =	shalt  }

// kernel: kernel.8.cloned.1.call-start
scs
__scs_entry_jumppad:
0x0: {  	(pc) =	sbr.rel $0x88, $3  }
0x1: {  	(tag) =	ssettag $0x0;
	lr =	simm.s32 $0x1  }
0x2: {  	[smem:$0x3F92] =	sst lr;
	_ =	strace $0xD0000000  }
0x3: {  	_ = 	snop  }
0x4: {  	_ = 	snop  }
0x5: {  	_ = 	snop  }
0x6: {  	_ = 	snop  }
0x7: {  	_ = 	snop  }
__scs_overlays_trampoline_lowered:
0x8: {  	[smem:$0x3FA1] =	sst s0  }
0x9: {  	[smem:$0x3FA2] =	sst s1  }
0xa: {  	[smem:$0x3FA3] =	sst s2  }
0xb: {  	[smem:$0x3FA4] =	sst s3  }
0xc: {  	[smem:$0x3FA5] =	sst s4  }
0xd: {  	[smem:$0x3FA6] =	sst s5  }
0xe: {  	[smem:$0x3FA7] =	sst s6  }
0xf: {  	[smem:$0x3FA8] =	sst s7  }
0x10: {  	[smem:$0x3FA9] =	sst s8  }
0x11: {  	[smem:$0x3FAA] =	sst s9;
	s0 =	simm.s32 @!p0 $0x0  }
0x12: {  	s1 =	sld [smem:$0x3F90];
	s0 =	simm.s32 @p0 $0x1  }
0x13: {  	[smem:$0x3FAB] =	sst s0;
	s0 =	simm.s32 @!p1 $0x0  }
0x14: {  	s2 =	sld [smem:$0x3F8F];
	s0 =	simm.s32 @p1 $0x1  }
0x15: {  	[smem:$0x3FAC] =	sst s0;
	s0 =	simm.s32 @!p2 $0x0  }
0x16: {  	s3 =	sld [smem:$0x3FDB];
	s0 =	simm.s32 @p2 $0x1  }
0x17: {  	s4 =	simm.s32 $0x1BF5;
	[smem:$0x3FAE] =	sst s0  }
0x18: {  	s0 =	sld [smem:$0x3F91];
	_ =	swait.ge [sflag:s4], $0x0  }
0x19: {  	s7 =	sld [smem:$0x3F92]  }
0x1a: {  	s8 =	sadd.s32 $0xFFFFE003, lr  }
0x1b: {  	s9 =	sadd.s32 $0xFFFFFEF7, lr;
	s5 =	simm.s32 $0xFFFFFFFF;
	p2 =	slt.u32 s8, $0xFFFFF086  }
0x1c: {  	p1 =	slt.u32 s9, $0xF7A;
	s5 =	simm.s32 @!p2 $0x0  }
0x1d: {  	s5 =	simm.s32 @p1 $0x1;
	p0 =	seq.s32 s7, s2  }
0x1e: {  	s7 =	smul.u32 @!p0 $0xF7A, s2;
	p2 =	seq.s32 @!p0 s5, $0x0  }
0x1f: {  	s9 =	smul.u32 $0xF7A, s1;
	s8 =	simm.s32 @!p0 $0x1BF5;
	p2 =	por !p2, p0  }
0x20: {  	[sflag:s8] =	ssyncset.s32 @!p0 $0xFFFFF086;
	s6 =	sadd.s32 @!p0 s3, s7;
	s7 =	simm.s32 @!p0 $0x108  }
0x21: {  	s3 =	sadd.s32 s3, s9;
	s6 =	sadd.s32 @!p0 $0x88, s6;
	s7 =	simm.s32 @p2 $0x1082  }
0x22: {  	[simem:s7], [sflag:s8] =	dma.local @!p0 [hbm:s6], $0xF7A  }
0x23: {  	s9 =	sor.u32 $0xD0000000, s2;
	s6 =	simm.s32 $0x108;
	_ =	swait.ge @!p0 [sflag:s8], $0x0  }
0x24: {  	s3 =	sadd.s32 $0x88, s3;
	s6 =	simm.s32 @!p1 $0x1082;
	[sflag:s4] =	ssyncset.s32 $0xFFFFF086  }
0x25: {  	[simem:s6], [sflag:s4] =	dma.local [hbm:s3], $0xF7A  }
0x26: {  	[smem:$0x3F92] =	sst s1;
	(tag) =	ssettag s2;
	_ =	strace s9  }
0x27: {  	s1 =	sld [smem:$0x3FA2]  }
0x28: {  	s2 =	sld [smem:$0x3FA3]  }
0x29: {  	s4 =	sld [smem:$0x3FA5]  }
0x2a: {  	p0 =	seq.s32 s5, $0x0;
	s5 =	sld [smem:$0x3FA6]  }
0x2b: {  	s6 =	sld [smem:$0x3FA7]  }
0x2c: {  	s7 =	sld [smem:$0x3FA8]  }
0x2d: {  	s3 =	simm.s32 $0x108;
	s8 =	sld [smem:$0x3FA9]  }
0x2e: {  	s3 =	simm.s32 @!p0 $0x1082;
	s9 =	sld [smem:$0x3FAA]  }
0x2f: {  	lr =	sadd.s32 s0, s3;
	s0 =	sld [smem:$0x3FA1]  }
0x30: {  	s3 =	sld [smem:$0x3FA4]  }
0x31: {  	[smem:$0x3FAD] =	sst s10  }
0x32: {  	s10 =	sld [smem:$0x3FAB];
	_ =	sdelay $0x3  }
0x33: {  	p0 =	seq.s32 s10, $0x1;
	s10 =	sld [smem:$0x3FAD];
	_ =	sdelay $0x3  }
0x34: {  	[smem:$0x3FAD] =	sst s10  }
0x35: {  	s10 =	sld [smem:$0x3FAC];
	_ =	sdelay $0x3  }
0x36: {  	p1 =	seq.s32 s10, $0x1;
	s10 =	sld [smem:$0x3FAD];
	_ =	sdelay $0x3  }
0x37: {  	[smem:$0x3FAD] =	sst s10  }
0x38: {  	s10 =	sld [smem:$0x3FAE]  }
0x39: {  	_ = 	snop;
	(pc) =	sbr.ind lr, $3  }
0x3a: {  	_ = 	snop  }
0x3b: {  	_ = 	snop  }
0x3c: {  	p2 =	seq.s32 s10, $0x1;
	s10 =	sld [smem:$0x3FAD]  }
0x3d: {  	_ =	shalt  }
0x3e: {  	_ =	shalt  }
0x3f: {  	_ =	shalt  }
0x40: {  	_ =	shalt  }
0x41: {  	_ =	shalt  }
0x42: {  	_ =	shalt  }
0x43: {  	_ =	shalt  }
0x44: {  	_ =	shalt  }
0x45: {  	_ =	shalt  }
0x46: {  	_ =	shalt  }
0x47: {  	_ =	shalt  }
0x48: {  	_ =	shalt  }
0x49: {  	_ =	shalt  }
0x4a: {  	_ =	shalt  }
0x4b: {  	_ =	shalt  }
0x4c: {  	_ =	shalt  }
0x4d: {  	_ =	shalt  }
0x4e: {  	_ =	shalt  }
0x4f: {  	_ =	shalt  }
0x50: {  	_ =	shalt  }
0x51: {  	_ =	shalt  }
0x52: {  	_ =	shalt  }
0x53: {  	_ =	shalt  }
0x54: {  	_ =	shalt  }
0x55: {  	_ =	shalt  }
0x56: {  	_ =	shalt  }
0x57: {  	_ =	shalt  }
0x58: {  	_ =	shalt  }
0x59: {  	_ =	shalt  }
0x5a: {  	_ =	shalt  }
0x5b: {  	_ =	shalt  }
0x5c: {  	_ =	shalt  }
0x5d: {  	_ =	shalt  }
0x5e: {  	_ =	shalt  }
0x5f: {  	_ =	shalt  }
0x60: {  	_ =	shalt  }
0x61: {  	_ =	shalt  }
0x62: {  	_ =	shalt  }
0x63: {  	_ =	shalt  }
0x64: {  	_ =	shalt  }
0x65: {  	_ =	shalt  }
0x66: {  	_ =	shalt  }
0x67: {  	_ =	shalt  }
0x68: {  	_ =	shalt  }
0x69: {  	_ =	shalt  }
0x6a: {  	_ =	shalt  }
0x6b: {  	_ =	shalt  }
0x6c: {  	_ =	shalt  }
0x6d: {  	_ =	shalt  }
0x6e: {  	_ =	shalt  }
0x6f: {  	_ =	shalt  }
0x70: {  	_ =	shalt  }
0x71: {  	_ =	shalt  }
0x72: {  	_ =	shalt  }
0x73: {  	_ =	shalt  }
0x74: {  	_ =	shalt  }
0x75: {  	_ =	shalt  }
0x76: {  	_ =	shalt  }
0x77: {  	_ =	shalt  }
0x78: {  	_ =	shalt  }
0x79: {  	_ =	shalt  }
0x7a: {  	_ =	shalt  }
0x7b: {  	_ =	shalt  }
0x7c: {  	_ =	shalt  }
0x7d: {  	_ =	shalt  }
0x7e: {  	_ =	shalt  }
0x7f: {  	_ =	shalt  }
0x80: {  	_ =	shalt  }
0x81: {  	_ =	shalt  }
0x82: {  	_ =	shalt  }
0x83: {  	_ =	shalt  }
0x84: {  	_ =	shalt  }
0x85: {  	_ =	shalt  }
0x86: {  	_ =	shalt  }
0x87: {  	_ =	shalt  }
.Lfunc_end0:
.L_simem_size_0:
called_computation.1_lowered:
.L_overlay_start_0:
0x88: {  	s2 =	sld [smem:$0x3FD9]  }
0x89: {  	s3 =	sld [smem:$0x3FFE];
	_ =	sdelay $0x1  }
0x8a: {  	s1 =	srdreg.scid  }
0x8b: {  	s0 =	sand.u32 $0x1, s1  }
0x8c: {  	s14 =	sshll.u32 s0, $0xA;
	s2 =	sadd.s32 s3, s2  }
0x8d: {  	s2 =	sadd.s32 s2, s14  }
0x8e: {  	[smem:$0x3FB9] =	sst s2  }
0x8f: {  	_ = 	snop  }
0x90: {  	s2 =	sld [smem:$0x3FD0];
	_ =	sdelay $0x2  }
0x91: {  	s15 =	simm.s32 $0xA;
	s4 =	simm.s32 $0x10  }
0x92: {  	[smem:s4], [sflag:s15] =	dma.local [hbm:s2], $0x1  }
0x93: {  	_ =	swait.eq [sflag:s15], $0x1  }
0x94: {  	[sflag:s15] =	ssyncset.done $0x0  }
0x95: {  	s16 =	sld [smem:$0x10];
	[sflag:s15] =	ssyncadd.s32 $0xFFFFFFFF  }
0x96: {  	s17 =	sld [smem:$0x11];
	(tm) =	ssettm $0x1  }
0x97: {  	s18 =	sld [smem:$0x3FFB];
	_ =	sdelay $0x3  }
0x98: {  	_ =	strace s18  }
0x99: {  	s4 =	sld [smem:$0x3FFC];
	_ =	sdelay $0x3  }
0x9a: {  	_ =	strace s4  }
0x9b: {  	s4 =	sld [smem:$0x3FFD];
	_ =	sdelay $0x3  }
0x9c: {  	_ =	strace s4  }
0x9d: {  	_ =	strace $0x8FFFFFFF  }
0x9e: {  	s19 =	sld [smem:$0x3FDB];
	_ =	sdelay $0x1  }
0x9f: {  	s5 =	simm.s32 $_scs_section_size  }
0xa0: {  	s6 =	simm.s32 $_size__tile_overlayer_lowered;
	s7 =	simm.s32 $_tile_overlayer_lowered  }
0xa1: {  	s22 =	simm.s32 $0x1BFF;
	s21 =	sshll.u32 s7, $0x1;
	s4 =	sadd.s32 s5, s19  }
0xa2: {  	s8 =	simm.s32 $0x0;
	s20 =	sshll.u32 s6, $0x1;
	s6 =	sadd.s32 s21, s4  }
0xa3: {  	[timem:s8], [sflag:s22] =	dma.local [hbm:s6], s20  }
0xa4: {  	_ =	swait.ge [sflag:s22], s20  }
0xa5: {  	s5 =	ssub.s32 $0x0, s20;
	[sflag:s22] =	ssyncset.done $0x0  }
0xa6: {  	[sflag:s22] =	ssyncadd.s32 s5;
	_ =	sdelay $0x1  }
0xa7: {  	s23 =	simm.s32 $0x1B8B  }
0xa8: {  	_ =	swait.ge [sflag:s23], $0x1  }
0xa9: {  	[sflag:s23] =	ssyncset.done $0x0  }
0xaa: {  	s25 =	simm.s32 $0x1B8E;
	s24 =	sld [smem:$0x3FFE];
	[sflag:s23] =	ssyncadd.s32 $0xFFFFFFFF  }
0xab: {  	s26 =	simm.s32 $execute0_lowered;
	[smem:$0x3FD2] =	sst s25  }
0xac: {  	s6 =	sshll.u32 s26, $0x1;
	_ =	strace $0x80000049;
	[dreg:$0x1] =	wrdreg $0xFFFFFFFF  }
0xad: {  	s28 =	simm.s32 $_size_execute0_lowered;
	s4 =	sadd.s32 s4, s6;
	[dreg:$0x0] =	wrdreg $0x0  }
0xae: {  	s6 =	sshll.u32 s28, $0x1;
	[dreg:$0x2] =	wrdreg s4  }
0xaf: {  	[dreg:$0x3] =	wrdreg s6  }
0xb0: {  	[dreg:$0x4] =	wrdreg $0xC0  }
0xb1: {  	_ =	task [dreg:s8], $0x5FFFF  }
0xb2: {  	[dreg:$0x1] =	wrdreg $0xFFFFFFFF  }
0xb3: {  	[dreg:$0x0] =	wrdreg $0x60  }
0xb4: {  	[dreg:$0x2] =	wrdreg s16  }
0xb5: {  	[dreg:$0x3] =	wrdreg s17  }
0xb6: {  	[dreg:$0x4] =	wrdreg s24  }
0xb7: {  	[dreg:$0x5] =	wrdreg $0x9  }
0xb8: {  	_ =	task.clear_ibuf [dreg:s8], $0x6FFFF;
	_ =	strace $0x90000049  }
0xb9: {  	s29 =	simm.s32 $0x9;
	_ =	strace $0x8000004B  }
0xba: {  	_ =	swait.ge [sflag:s29], $0x1  }
0xbb: {  	[sflag:s29] =	ssyncadd.s32 $0xFFFFFFFF  }
0xbc: {  	_ =	strace $0x9000004B  }
0xbd: {  	_ =	sfence  }
0xbe: {  	s30 =	sld [smem:$0x0];
	_ =	sdelay $0x2  }
0xbf: {  	s31 =	sshll.u32 s1, $0xD;
	s1 =	sshrl.u32 s1, $0x2  }
0xc0: {  	s3 =	sand.u32 $0x4000, s31;
	s1 =	sadd.s32 s1, s30  }
0xc1: {  	s0 =	sor.u32 s3, s0;
	s1 =	sshll.u32 s1, $0x11  }
0xc2: {  	s0 =	sor.u32 s1, s0  }
0xc3: {  	s0 =	sadd.s32 $0x8F2B, s0  }
0xc4: {  	[sflag:s0] =	ssyncadd.remote.s32 $0x1  }
0xc5: {  	_ =	sfence.sel $0xFFFF  }
0xc6: {  	[dreg:$0x0] =	wrdreg $0xFFFFFFFF;
	(pc) =	sbr.abs _section_cstart, $3  }
0xc7: {  	[dreg:$0x1] =	wrdreg $0xFFFFFFFF  }
0xc8: {  	_ =	task.clear_ibuf [dreg:s8], $0x2FFFF;
	_ =	strace $0x9FFFFFFF  }
0xc9: {  	(tm) =	ssettm $0x7FFFFFFF  }
tec
execute0_lowered:
.L_overlay_start_1:
0x0: {  	(tag) =	ssettag $0x1  }
0x1: {  	s15 =	rddreg [dreg:$0x0];
	s1 =	srdreg.scid  }
0x2: {  	s16 =	rddreg [dreg:$0x1];
	s0 =	stileid.u32;
	s17 =	sand.u32 $0x1, s1  }
0x3: {  	s14 =	rddreg [dreg:$0x2];
	s3 =	sshll.u32 s0, $0xA;
	s4 =	sshll.u32 s17, $0x9  }
0x4: {  	s2 =	simm.s32 $0x0;
	s1 =	rddreg [dreg:$0x3];
	s18 =	sor.u32 s4, s3  }
0x5: {  	[smem:$0x7FF] =	sst s2;
	s5 =	sshrl.u32 s18, $0x3  }
0x6: {  	_ =	strace $0x8000004A;
	s3 =	simm.s32 $0x2;
	s4 =	sadd.s32 s15, s5  }
0x7: {  	[tilespmem:s2], [sflag:$0x2] =	stream.linear.gather [hbm4b:s4+s2], $0x100, $0x38;
	[tilespmem:$0x10200] =	vst v63  }
0x8: {  	_ =	swait.ge [sflag:s3], $0x100  }
0x9: {  	[sflag:s3] =	ssyncset.done $0x0  }
0xa: {  	s6 =	simm.s32 $0x100;
	s5 =	sadd.s32 s16, s5;
	[sflag:s3] =	ssyncadd.s32 $0xFFFFFF00  }
0xb: {  	[tilespmem:s6], [sflag:$0x2] =	stream.linear.gather [hbm4b:s5+s2], $0x100, $0x38;
	[tilespmem:$0x10200] =	vst v63  }
0xc: {  	_ =	swait.ge [sflag:s3], $0x100  }
0xd: {  	[sflag:s3] =	ssyncset.done $0x0  }
0xe: {  	s8 =	simm.s32 $0x200;
	s7 =	sadd.s32 $0x40FC00, s14;
	[sflag:s3] =	ssyncadd.s32 $0xFFFFFF00  }
0xf: {  	[tilespmem:s8], [sflag:$0x1] =	stream.indirect.gather [hbm4b:s7+s6], $0x80, s2, s6, $0xb8;
	[tilespmem:$0x10200] =	vst v63  }
0x10: {  	s9 =	simm.s32 $0x8200;
	s10 =	simm.s32 $0x1  }
0x11: {  	[tilespmem:s9], [sflag:$0x1] =	stream.indirect.gather [hbm4b:s7+s6], $0x80, s6, s6, $0xb8;
	[tilespmem:$0x10200] =	vst v63  }
0x12: {  	_ =	swait.ge [sflag:s10], $0x8000  }
0x13: {  	[sflag:s10] =	ssyncset.done $0x0  }
0x14: {  	[sflag:s10] =	ssyncadd.s32 $0xFFFF8000  }
0x15: {  	s12 =	simm.s32 $0x400;
	_ =	swait.ge [sflag:s10], $0x8000  }
0x16: {  	s19 =	sadd.s32 $0x102800, s14;
	s20 =	sshll.u32 s18, $0x5;
	[sflag:s10] =	ssyncset.done $0x0  }
0x17: {  	s13 =	simm.s32 $0x800;
	s11 =	sadd.s32 s19, s20;
	[sflag:s10] =	ssyncadd.s32 $0xFFFF8000  }
0x18: {  	[hbm4b:s11+s12] =	stream.strided.scatter [tilespmem:s8], [sflag:$0x2], $0x8000, s13, s12, $0x38;
	[tilespmem:$0x10200] =	vst v63  }
0x19: {  	_ =	swait.ge [sflag:s3], $0x8000  }
0x1a: {  	s21 =	sadd.s32 $0x102880, s14;
	[sflag:s3] =	ssyncset.done $0x0  }
0x1b: {  	s14 =	sadd.s32 s20, s21;
	[sflag:s3] =	ssyncadd.s32 $0xFFFF8000  }
0x1c: {  	[hbm4b:s14+s12] =	stream.strided.scatter [tilespmem:s9], [sflag:$0x2], $0x8000, s13, s12, $0x38;
	[tilespmem:$0x10200] =	vst v63  }
0x1d: {  	s18 =	sor.u32 $0x100, s18;
	_ =	swait.ge [sflag:s3], $0x8000  }
0x1e: {  	s29 =	sshrl.u32 s18, $0x3;
	[sflag:s3] =	ssyncset.done $0x0  }
0x1f: {  	s15 =	sadd.s32 s15, s29;
	[sflag:s3] =	ssyncadd.s32 $0xFFFF8000  }
0x20: {  	[tilespmem:s2], [sflag:$0x2] =	stream.linear.gather [hbm4b:s15+s2], $0x100, $0x38;
	[tilespmem:$0x10200] =	vst v63  }
0x21: {  	_ =	swait.ge [sflag:s3], $0x100  }
0x22: {  	[sflag:s3] =	ssyncset.done $0x0  }
0x23: {  	s16 =	sadd.s32 s16, s29;
	[sflag:s3] =	ssyncadd.s32 $0xFFFFFF00  }
0x24: {  	[tilespmem:s6], [sflag:$0x2] =	stream.linear.gather [hbm4b:s16+s2], $0x100, $0x38;
	[tilespmem:$0x10200] =	vst v63  }
0x25: {  	_ =	swait.ge [sflag:s3], $0x100  }
0x26: {  	[sflag:s3] =	ssyncset.done $0x0  }
0x27: {  	[sflag:s3] =	ssyncadd.s32 $0xFFFFFF00  }
0x28: {  	[tilespmem:s8], [sflag:$0x1] =	stream.indirect.gather [hbm4b:s7+s6], $0x80, s2, s6, $0xb8;
	[tilespmem:$0x10200] =	vst v63  }
0x29: {  	_ = 	snop  }
0x2a: {  	[tilespmem:s9], [sflag:$0x1] =	stream.indirect.gather [hbm4b:s7+s6], $0x80, s6, s6, $0xb8;
	[tilespmem:$0x10200] =	vst v63  }
0x2b: {  	_ =	swait.ge [sflag:s10], $0x8000  }
0x2c: {  	[sflag:s10] =	ssyncset.done $0x0  }
0x2d: {  	s30 =	ssub.s32 $0x2, s17;
	[sflag:s10] =	ssyncadd.s32 $0xFFFF8000  }
0x2e: {  	s31 =	sshrl.u32 s30, $0x1;
	s18 =	sshll.u32 s18, $0x5;
	_ =	swait.ge [sflag:s10], $0x8000  }
0x2f: {  	s17 =	sadd.s32 s19, s18;
	s19 =	ssub.s32 s30, s31;
	[sflag:s10] =	ssyncset.done $0x0  }
0x30: {  	s19 =	smax.u32 s19, $0x1;
	[sflag:s10] =	ssyncadd.s32 $0xFFFF8000  }
0x31: {  	[hbm4b:s17+s12] =	stream.strided.scatter [tilespmem:s8], [sflag:$0x2], $0x8000, s13, s12, $0x38;
	[tilespmem:$0x10200] =	vst v63  }
0x32: {  	p0 =	sne.s32 s19, $0x1;
	_ =	swait.ge [sflag:s3], $0x8000  }
.Ltmp0:
0x33: {  	[sflag:s3] =	ssyncset.done $0x0;
	(pc) =	sbr.rel @!p0 .LBB2_2-.Ltmp0, $4  }
0x34: {  	s18 =	sadd.s32 s18, s21;
	[sflag:s3] =	ssyncadd.s32 $0xFFFF8000  }
0x35: {  	[hbm4b:s18+s12] =	stream.strided.scatter [tilespmem:s9], [sflag:$0x2], $0x8000, s13, s12, $0x38;
	[tilespmem:$0x10200] =	vst v63  }
0x36: {  	_ =	swait.ge [sflag:s3], $0x8000  }
0x37: {  	s19 =	sadd.s32 $0xFFFFFFFF, s19;
	[sflag:s3] =	ssyncset.done $0x0  }
.LBB2_1:
0x38: {  	p0 =	sne.s32 s19, $0x1;
	s19 =	sadd.s32 $0xFFFFFFFF, s19;
	[sflag:s3] =	ssyncadd.s32 $0xFFFF8000  }
0x39: {  	[tilespmem:s2], [sflag:$0x2] =	stream.linear.gather [hbm4b:s4+s2], $0x100, $0x38;
	[tilespmem:$0x10200] =	vst v63  }
0x3a: {  	_ =	swait.ge [sflag:s3], $0x100  }
0x3b: {  	[sflag:s3] =	ssyncset.done $0x0  }
0x3c: {  	[sflag:s3] =	ssyncadd.s32 $0xFFFFFF00  }
0x3d: {  	[tilespmem:s6], [sflag:$0x2] =	stream.linear.gather [hbm4b:s5+s2], $0x100, $0x38;
	[tilespmem:$0x10200] =	vst v63  }
0x3e: {  	_ =	swait.ge [sflag:s3], $0x100  }
0x3f: {  	[sflag:s3] =	ssyncset.done $0x0  }
0x40: {  	[sflag:s3] =	ssyncadd.s32 $0xFFFFFF00  }
0x41: {  	[tilespmem:s8], [sflag:$0x1] =	stream.indirect.gather [hbm4b:s7+s6], $0x80, s2, s6, $0xb8;
	[tilespmem:$0x10200] =	vst v63  }
0x42: {  	_ = 	snop  }
0x43: {  	[tilespmem:s9], [sflag:$0x1] =	stream.indirect.gather [hbm4b:s7+s6], $0x80, s6, s6, $0xb8;
	[tilespmem:$0x10200] =	vst v63  }
0x44: {  	_ =	swait.ge [sflag:s10], $0x8000  }
0x45: {  	[sflag:s10] =	ssyncset.done $0x0  }
0x46: {  	[sflag:s10] =	ssyncadd.s32 $0xFFFF8000  }
0x47: {  	_ =	swait.ge [sflag:s10], $0x8000  }
0x48: {  	[sflag:s10] =	ssyncset.done $0x0  }
0x49: {  	[sflag:s10] =	ssyncadd.s32 $0xFFFF8000  }
0x4a: {  	[hbm4b:s11+s12] =	stream.strided.scatter [tilespmem:s8], [sflag:$0x2], $0x8000, s13, s12, $0x38;
	[tilespmem:$0x10200] =	vst v63  }
0x4b: {  	_ =	swait.ge [sflag:s3], $0x8000  }
0x4c: {  	[sflag:s3] =	ssyncset.done $0x0  }
0x4d: {  	[sflag:s3] =	ssyncadd.s32 $0xFFFF8000  }
0x4e: {  	[hbm4b:s14+s12] =	stream.strided.scatter [tilespmem:s9], [sflag:$0x2], $0x8000, s13, s12, $0x38;
	[tilespmem:$0x10200] =	vst v63  }
0x4f: {  	_ =	swait.ge [sflag:s3], $0x8000  }
0x50: {  	[sflag:s3] =	ssyncset.done $0x0  }
0x51: {  	[sflag:s3] =	ssyncadd.s32 $0xFFFF8000  }
0x52: {  	[tilespmem:s2], [sflag:$0x2] =	stream.linear.gather [hbm4b:s15+s2], $0x100, $0x38;
	[tilespmem:$0x10200] =	vst v63  }
0x53: {  	_ =	swait.ge [sflag:s3], $0x100  }
0x54: {  	[sflag:s3] =	ssyncset.done $0x0  }
0x55: {  	[sflag:s3] =	ssyncadd.s32 $0xFFFFFF00  }
0x56: {  	[tilespmem:s6], [sflag:$0x2] =	stream.linear.gather [hbm4b:s16+s2], $0x100, $0x38;
	[tilespmem:$0x10200] =	vst v63  }
0x57: {  	_ =	swait.ge [sflag:s3], $0x100  }
0x58: {  	[sflag:s3] =	ssyncset.done $0x0  }
0x59: {  	[sflag:s3] =	ssyncadd.s32 $0xFFFFFF00  }
0x5a: {  	[tilespmem:s8], [sflag:$0x1] =	stream.indirect.gather [hbm4b:s7+s6], $0x80, s2, s6, $0xb8;
	[tilespmem:$0x10200] =	vst v63  }
0x5b: {  	_ = 	snop  }
0x5c: {  	[tilespmem:s9], [sflag:$0x1] =	stream.indirect.gather [hbm4b:s7+s6], $0x80, s6, s6, $0xb8;
	[tilespmem:$0x10200] =	vst v63  }
0x5d: {  	_ =	swait.ge [sflag:s10], $0x8000  }
0x5e: {  	[sflag:s10] =	ssyncset.done $0x0  }
0x5f: {  	[sflag:s10] =	ssyncadd.s32 $0xFFFF8000  }
0x60: {  	_ =	swait.ge [sflag:s10], $0x8000  }
0x61: {  	[sflag:s10] =	ssyncset.done $0x0  }
0x62: {  	[sflag:s10] =	ssyncadd.s32 $0xFFFF8000  }
0x63: {  	[hbm4b:s17+s12] =	stream.strided.scatter [tilespmem:s8], [sflag:$0x2], $0x8000, s13, s12, $0x38;
	[tilespmem:$0x10200] =	vst v63  }
0x64: {  	_ =	swait.ge [sflag:s3], $0x8000  }
.Ltmp1:
0x65: {  	[sflag:s3] =	ssyncset.done $0x0;
	(pc) =	sbr.rel @p0 .LBB2_1-.Ltmp1, $4  }
0x66: {  	[sflag:s3] =	ssyncadd.s32 $0xFFFF8000  }
0x67: {  	[hbm4b:s18+s12] =	stream.strided.scatter [tilespmem:s9], [sflag:$0x2], $0x8000, s13, s12, $0x38;
	[tilespmem:$0x10200] =	vst v63  }
0x68: {  	_ =	swait.ge [sflag:s3], $0x8000  }
0x69: {  	[sflag:s3] =	ssyncset.done $0x0  }
.LBB2_2:
0x6a: {  	[sflag:s3] =	ssyncadd.s32 $0xFFFF8000  }
0x6b: {  	_ =	sfence.sel $0x180000  }
0x6c: {  	[bflag:$0x0] =	sbarrier.arrive $0xFFFF  }
0x6d: {  	p0 =	sne.s32 s0, $0x0;
	_ =	strace $0x9000004A  }
0x6e: {  	s0 =	sadd.s32 @!p0 $0x100000, s1;
	[bflag:$0x2] =	sbarrier.arrive $0xFFFF  }
0x6f: {  	[sflag:s0] =	ssyncadd.tile.s32 @!p0 $0x1;
	_ =	shalt  }
.Lfunc_end2:
_tile_overlayer_lowered:
.L_overlay_start_2:
0x70: {  	(tag) =	ssettag $0x2  }
0x71: {  	s0 =	rddreg [dreg:$0x0];
	s2 =	stileid.u32  }
0x72: {  	s1 =	rddreg [dreg:$0x1];
	p0 =	sne.s32 s2, $0x0  }
0x73: {  	s3 =	rddreg [dreg:$0x2];
	[bflag:$0x3] =	sbarrier.arrive $0xFFFF;
	s2 =	simm.s32 @!p0 $0x1C02  }
0x74: {  	[timem:s3], [sflag:s2] =	dma.local @!p0 [hbm:s0], s1  }
0x75: {  	s0 =	simm.s32 @!p0 $0x2  }
0x76: {  	_ =	swait.ge @!p0 [sflag:s0], s1  }
0x77: {  	s1 =	ssub.s32 @!p0 $0x0, s1;
	[sflag:s0] =	ssyncset.done @!p0 $0x0  }
0x78: {  	[sflag:s0] =	ssyncadd.s32 @!p0 s1  }
0x79: {  	[bflag:$0x3] =	sbarrier.arrive $0xFFFF  }
0x7a: {  	_ =	shalt  }

</sc_bundles>
